<compile_context>
chip_gen: v7x
topology: tpu7x:2x2x1
jax: 0.10.2.dev20260603
libtpu: 0.0.44.dev20260713+nightly
codegen_flags: <defaults>
</compile_context>

<pallas_src>
import functools

import jax
import jax.numpy as jnp
from jax import lax
from jax.experimental import pallas as pl
from jax.experimental.pallas import tpu as pltpu
from jax.experimental.pallas import tpu_sc as plsc

N = 10000
E = 320000
CIN = 128
COUT = 128
R = 8

NC = 2
NS = 16
NW = NC * NS
K = 128
NCH = 80
NCH_H = NCH // 2
EPAD = NW * NCH * K
NTRASH = 16
N_PAD = N + NTRASH
ROWS_PER_SUB = 640

BN = 400
BNF = 200
EB2 = E // (N // BN) // 128


def _tc_transform_body(x_ref, w_ref, src_ref, et_ref, xw_ref, fidx_ref):
    xb = x_ref[...]
    for r in range(R):
        xw_ref[:, r, :] = jnp.dot(xb, w_ref[r], preferred_element_type=jnp.float32)
    fidx_ref[...] = src_ref[...] * R + et_ref[...]


_tc_transform = pl.pallas_call(
    _tc_transform_body,
    grid=(N // BN,),
    in_specs=[
        pl.BlockSpec((BN, CIN), lambda i: (i, 0)),
        pl.BlockSpec((R, CIN, COUT), lambda i: (0, 0, 0)),
        pl.BlockSpec((1, EB2, 128), lambda i: (i, 0, 0)),
        pl.BlockSpec((1, EB2, 128), lambda i: (i, 0, 0)),
    ],
    out_specs=[
        pl.BlockSpec((BN, R, COUT), lambda i: (i, 0, 0)),
        pl.BlockSpec((1, EB2, 128), lambda i: (i, 0, 0)),
    ],
    out_shape=[
        jax.ShapeDtypeStruct((N, R, COUT), jnp.float32),
        jax.ShapeDtypeStruct((N // BN, EB2, 128), jnp.int32),
    ],
)


def _sc_body(fd_hbm, xw_hbm, out_hbm,
             fidx_v, dst_v, rows0_v, rows1_v, acc_sh, sem0, sem1):
    c = lax.axis_index("c")
    s = lax.axis_index("s")
    wid = s * NC + c

    row0 = pl.multiple_of(
        jnp.where(s == NS - 1, N_PAD - ROWS_PER_SUB, s * ROWS_PER_SUB), 8)

    pltpu.async_copy(fd_hbm.at[0, wid, pl.ds(0, NCH_H)], fidx_v, sem0)
    pltpu.async_copy(fd_hbm.at[1, wid, pl.ds(0, NCH_H)], dst_v, sem1)

    zv = jnp.zeros((16,), jnp.float32)

    def zrow(i, carry):
        for j in range(COUT // 16):
            rows0_v[i, pl.ds(j * 16, 16)] = zv
        return carry

    lax.fori_loop(0, K, zrow, 0)
    for t in range(ROWS_PER_SUB // K):
        pltpu.sync_copy(rows0_v, acc_sh.at[pl.ds(row0 + t * K, K)])
    pltpu.make_async_copy(fd_hbm.at[0, wid, pl.ds(0, NCH_H)], fidx_v, sem0).wait()
    pltpu.make_async_copy(fd_hbm.at[1, wid, pl.ds(0, NCH_H)], dst_v, sem1).wait()
    plsc.subcore_barrier()

    for h in range(NCH // NCH_H):
        if h > 0:
            pltpu.sync_copy(fd_hbm.at[0, wid, pl.ds(h * NCH_H, NCH_H)], fidx_v)
            pltpu.sync_copy(fd_hbm.at[1, wid, pl.ds(h * NCH_H, NCH_H)], dst_v)
        pltpu.async_copy(xw_hbm.at[fidx_v.at[0]], rows0_v, sem0)
        pltpu.async_copy(xw_hbm.at[fidx_v.at[1]], rows1_v, sem1)

        def pair(p, carry):
            j0 = p * 2
            pltpu.make_async_copy(xw_hbm.at[fidx_v.at[0]], rows0_v, sem0).wait()
            pltpu.sync_copy(rows0_v, acc_sh.at[dst_v.at[j0]], add=True)

            @pl.when(j0 + 2 < NCH_H)
            def _g0():
                pltpu.async_copy(xw_hbm.at[fidx_v.at[j0 + 2]], rows0_v, sem0)

            pltpu.make_async_copy(xw_hbm.at[fidx_v.at[0]], rows1_v, sem1).wait()
            pltpu.sync_copy(rows1_v, acc_sh.at[dst_v.at[j0 + 1]], add=True)

            @pl.when(j0 + 3 < NCH_H)
            def _g1():
                pltpu.async_copy(xw_hbm.at[fidx_v.at[j0 + 3]], rows1_v, sem1)

            return carry

        lax.fori_loop(0, NCH_H // 2, pair, 0)
    plsc.subcore_barrier()
    pltpu.sync_copy(acc_sh.at[pl.ds(row0, ROWS_PER_SUB)],
                    out_hbm.at[c, pl.ds(row0, ROWS_PER_SUB)])


@functools.cache
def _sc_scatter():
    return functools.partial(
        pl.kernel,
        mesh=plsc.VectorSubcoreMesh(core_axis_name="c", subcore_axis_name="s"),
        out_type=jax.ShapeDtypeStruct((NC, N_PAD, COUT), jnp.float32),
        scratch_types=[
            pltpu.VMEM((NCH_H, K), jnp.int32),
            pltpu.VMEM((NCH_H, K), jnp.int32),
            pltpu.VMEM((K, COUT), jnp.float32),
            pltpu.VMEM((K, COUT), jnp.float32),
            pltpu.VMEM_SHARED((N_PAD, COUT), jnp.float32),
            pltpu.SemaphoreType.DMA,
            pltpu.SemaphoreType.DMA,
        ],
    )(_sc_body)


def _tc_final_body(x_ref, wr_ref, b_ref, p_ref, o_ref):
    acc = jnp.dot(x_ref[...], wr_ref[...], preferred_element_type=jnp.float32)
    acc = acc + p_ref[0] + p_ref[1] + b_ref[...]
    o_ref[...] = jnp.maximum(acc, 0.0)


_tc_final = pl.pallas_call(
    _tc_final_body,
    grid=(N // BNF,),
    in_specs=[
        pl.BlockSpec((BNF, CIN), lambda i: (i, 0)),
        pl.BlockSpec((CIN, COUT), lambda i: (0, 0)),
        pl.BlockSpec((1, COUT), lambda i: (0, 0)),
        pl.BlockSpec((NC, BNF, COUT), lambda i: (0, i, 0)),
    ],
    out_specs=pl.BlockSpec((BNF, COUT), lambda i: (i, 0)),
    out_shape=jax.ShapeDtypeStruct((N, COUT), jnp.float32),
)


def kernel(x, edge_index, edge_type, W, W_root, b):
    nbt = N // BN
    src = edge_index[0].astype(jnp.int32).reshape(nbt, EB2, 128)
    et = edge_type.astype(jnp.int32).reshape(nbt, EB2, 128)
    xw, fidx = _tc_transform(x, W, src, et)
    npad = EPAD - E
    pad_i = jnp.arange(npad, dtype=jnp.int32)
    fd = jnp.concatenate(
        [fidx.reshape(E), (pad_i * 64) % (N * R),
         edge_index[1].astype(jnp.int32), N + (pad_i % NTRASH)]
    ).reshape(2, NW, NCH, K)
    partials = _sc_scatter()(fd, xw.reshape(N * R, COUT))
    return _tc_final(x, W_root, b.reshape(1, COUT), partials)

# --- scband reference (transcript-rebuilt; emitter-appended) ---
"""Pipeline reference for scband-graph-encoder-72103910965998 (READ-ONLY COPY).

The authoritative reference and input builder live on the scoring server;
editing this copy changes nothing except your own understanding.
"""

import jax, jax.numpy as jnp
import numpy as np

N_NODES = 10000
N_EDGES = 320000
IN_CH = 128
OUT_CH = 128
N_REL = 8

def setup_inputs(seed: int = 0) -> dict:
    key = jax.random.key(seed)
    k0, k1, k2, k3, k4, k5 = jax.random.split(key, 6)
    x = jax.random.normal(k0, (N_NODES, IN_CH), dtype=jnp.float32)
    edge_index = jax.random.randint(k1, (2, N_EDGES), 0, N_NODES)
    edge_type = jax.random.randint(k2, (N_EDGES,), 0, N_REL)
    # learned parameters: per-relation weights, self-loop (root) weight, bias
    W = jax.random.normal(k3, (N_REL, IN_CH, OUT_CH), dtype=jnp.float32) * (1.0 / np.sqrt(IN_CH))
    W_root = jax.random.normal(k4, (IN_CH, OUT_CH), dtype=jnp.float32) * (1.0 / np.sqrt(IN_CH))
    b = jnp.zeros((OUT_CH,), dtype=jnp.float32)
    return {"x": x, "edge_index": edge_index, "edge_type": edge_type, "W": W, "W_root": W_root, "b": b}

def reference(x, edge_index, edge_type, W, W_root, b):
    # Relational GNN message passing (RGCN-style GraphEncoder layer):
    #   h_dst = ReLU( x_dst @ W_root + sum_{(src,dst,r) in E} x_src @ W_r + b )
    src = edge_index[0]
    dst = edge_index[1]
    # transform every node under every relation, then gather per-edge message
    xw = jnp.einsum('ni,rio->nro', x, W)        # [N, R, out]
    msg = xw[src, edge_type]                    # gather: [E, out]
    agg = jax.ops.segment_sum(msg, dst, num_segments=x.shape[0])  # scatter-add: [N, out]
    out = x @ W_root + agg + b
    return jax.nn.relu(out)

if __name__ == "__main__":
    import jax
    _d = setup_inputs()
    print(jax.jit(kernel)(*tuple(_d.values())))

</pallas_src>

<mosaic_0001>
#map = affine_map<(d0, d1) -> (0, 0, 0, 0)>
#map1 = affine_map<(d0, d1) -> (0, 0)>
#map2 = affine_map<(d0, d1) -> (0, 0, 0)>
module attributes {stable_mosaic.version = 14 : i64} {
  func.func @_sc_body(%arg0: i32, %arg1: i32, %arg2: memref<2x32x80x128xi32, #tpu.memory_space<hbm>>, %arg3: memref<80000x128xf32, #tpu.memory_space<hbm>>, %arg4: memref<2x10016x128xf32, #tpu.memory_space<hbm>>, %arg5: memref<40x128xi32, #tpu.memory_space<vmem>>, %arg6: memref<40x128xi32, #tpu.memory_space<vmem>>, %arg7: memref<128x128xf32, #tpu.memory_space<vmem>>, %arg8: memref<128x128xf32, #tpu.memory_space<vmem>>, %arg9: memref<10016x128xf32, #tpu.memory_space<vmem_shared>>, %arg10: memref<!tpu.dma_semaphore, #tpu.memory_space<semaphore_mem>>, %arg11: memref<!tpu.dma_semaphore, #tpu.memory_space<semaphore_mem>>) attributes {dimension_semantics = [#tpu.dimension_semantics<core_parallel>, #tpu.dimension_semantics<subcore_parallel>], iteration_bounds = array<i64: 2, 16>, scalar_prefetch = 0 : i64, scratch_operands = 7 : i64, tpu.core_type = #tpu.core_type<sc_vector_subcore>, window_params = [{transform_indices = #map}, {transform_indices = #map1}, {transform_indices = #map2}]} {
    %mul3A = arith.constant 2 : i32
    %mul3A_0 = arith.muli %arg1, %mul3A : i32
    %add3A = arith.addi %mul3A_0, %arg0 : i32
    %eq3A = arith.constant 15 : i32
    %eq3A_1 = arith.cmpi eq, %arg1, %eq3A : i32
    %mul3A_2 = arith.constant 640 : i32
    %mul3A_3 = arith.muli %arg1, %mul3A_2 : i32
    %jit3A = arith.constant 9376 : i32
    %select_n3A = arith.select %eq3A_1, %jit3A, %mul3A_3 : i32
    %multiple_of3A = tpu.assume_multiple %select_n3A, 8 : i32
    %dma_start3A = arith.constant 0 : i32
    %dma_start3A_4 = arith.constant 0 : i32
    %dma_start3A_5 = arith.constant 0 : i32
    %dma_start3A_6 = tpu.memref_slice %arg2[%dma_start3A, %add3A, %dma_start3A_4, %dma_start3A_5] : memref<2x32x80x128xi32, #tpu.memory_space<hbm>> -> memref<1x1x40x128xi32, #tpu.memory_space<hbm>>
    %dma_start3A_7 = tpu.memref_squeeze %dma_start3A_6 : memref<1x1x40x128xi32, #tpu.memory_space<hbm>> -> memref<40x128xi32, #tpu.memory_space<hbm>>
    %dma_start3A_8 = arith.constant 0 : i32
    %dma_start3A_9 = arith.constant 0 : i32
    %dma_start3A_10 = tpu.memref_slice %arg2[%dma_start3A, %add3A, %dma_start3A_8, %dma_start3A_9] : memref<2x32x80x128xi32, #tpu.memory_space<hbm>> -> memref<1x1x40x128xi32, #tpu.memory_space<hbm>>
    %dma_start3A_11 = tpu.memref_squeeze %dma_start3A_10 : memref<1x1x40x128xi32, #tpu.memory_space<hbm>> -> memref<40x128xi32, #tpu.memory_space<hbm>>
    tpu.enqueue_dma source(%dma_start3A_11 : memref<40x128xi32, #tpu.memory_space<hbm>>) target(%arg5 : memref<40x128xi32, #tpu.memory_space<vmem>>) target_semaphore(%arg10 : memref<!tpu.dma_semaphore, #tpu.memory_space<semaphore_mem>>)
    %dma_start3A_12 = arith.constant 1 : i32
    %dma_start3A_13 = arith.constant 0 : i32
    %dma_start3A_14 = arith.constant 0 : i32
    %dma_start3A_15 = tpu.memref_slice %arg2[%dma_start3A_12, %add3A, %dma_start3A_13, %dma_start3A_14] : memref<2x32x80x128xi32, #tpu.memory_space<hbm>> -> memref<1x1x40x128xi32, #tpu.memory_space<hbm>>
    %dma_start3A_16 = tpu.memref_squeeze %dma_start3A_15 : memref<1x1x40x128xi32, #tpu.memory_space<hbm>> -> memref<40x128xi32, #tpu.memory_space<hbm>>
    %dma_start3A_17 = arith.constant 0 : i32
    %dma_start3A_18 = arith.constant 0 : i32
    %dma_start3A_19 = tpu.memref_slice %arg2[%dma_start3A_12, %add3A, %dma_start3A_17, %dma_start3A_18] : memref<2x32x80x128xi32, #tpu.memory_space<hbm>> -> memref<1x1x40x128xi32, #tpu.memory_space<hbm>>
    %dma_start3A_20 = tpu.memref_squeeze %dma_start3A_19 : memref<1x1x40x128xi32, #tpu.memory_space<hbm>> -> memref<40x128xi32, #tpu.memory_space<hbm>>
    tpu.enqueue_dma source(%dma_start3A_20 : memref<40x128xi32, #tpu.memory_space<hbm>>) target(%arg6 : memref<40x128xi32, #tpu.memory_space<vmem>>) target_semaphore(%arg11 : memref<!tpu.dma_semaphore, #tpu.memory_space<semaphore_mem>>)
    %broadcast_in_dim3A = arith.constant 0.000000e+00 : f32
    %broadcast_in_dim3A_21 = vector.broadcast %broadcast_in_dim3A : f32 to vector<16xf32>
    %scan3A = arith.constant 0 : i32
    %scan3A_22 = arith.constant 0 : i32
    %scan3A_23 = arith.constant 128 : i32
    %scan3A_24 = arith.addi %scan3A_22, %scan3A_23 : i32
    %scan3A_25 = arith.constant 1 : i32
    scf.for %scan3A_96 = %scan3A_22 to %scan3A_24 step %scan3A_25  : i32 {
      %swap3A = arith.index_cast %scan3A_96 : i32 to index
      %swap3A_97 = arith.constant 0 : index
      %swap3A_98 = tpu.vector_load %arg7[%swap3A, %swap3A_97] {strides = array<i32>} : memref<128x128xf32, #tpu.memory_space<vmem>>, vector<1x16xf32>,
      %swap3A_99 = vector.shape_cast %swap3A_98 : vector<1x16xf32> to vector<16xf32>
      %swap3A_100 = vector.shape_cast %broadcast_in_dim3A_21 : vector<16xf32> to vector<1x16xf32>
      tpu.vector_store %arg7[%swap3A, %swap3A_97], %swap3A_100 {strides = array<i32>} : memref<128x128xf32, #tpu.memory_space<vmem>>, vector<1x16xf32>,
      %swap3A_101 = arith.index_cast %scan3A_96 : i32 to index
      %swap3A_102 = arith.constant 16 : index
      %swap3A_103 = tpu.vector_load %arg7[%swap3A_101, %swap3A_102] {strides = array<i32>} : memref<128x128xf32, #tpu.memory_space<vmem>>, vector<1x16xf32>,
      %swap3A_104 = vector.shape_cast %swap3A_103 : vector<1x16xf32> to vector<16xf32>
      %swap3A_105 = vector.shape_cast %broadcast_in_dim3A_21 : vector<16xf32> to vector<1x16xf32>
      tpu.vector_store %arg7[%swap3A_101, %swap3A_102], %swap3A_105 {strides = array<i32>} : memref<128x128xf32, #tpu.memory_space<vmem>>, vector<1x16xf32>,
      %swap3A_106 = arith.index_cast %scan3A_96 : i32 to index
      %swap3A_107 = arith.constant 32 : index
      %swap3A_108 = tpu.vector_load %arg7[%swap3A_106, %swap3A_107] {strides = array<i32>} : memref<128x128xf32, #tpu.memory_space<vmem>>, vector<1x16xf32>,
      %swap3A_109 = vector.shape_cast %swap3A_108 : vector<1x16xf32> to vector<16xf32>
      %swap3A_110 = vector.shape_cast %broadcast_in_dim3A_21 : vector<16xf32> to vector<1x16xf32>
      tpu.vector_store %arg7[%swap3A_106, %swap3A_107], %swap3A_110 {strides = array<i32>} : memref<128x128xf32, #tpu.memory_space<vmem>>, vector<1x16xf32>,
      %swap3A_111 = arith.index_cast %scan3A_96 : i32 to index
      %swap3A_112 = arith.constant 48 : index
      %swap3A_113 = tpu.vector_load %arg7[%swap3A_111, %swap3A_112] {strides = array<i32>} : memref<128x128xf32, #tpu.memory_space<vmem>>, vector<1x16xf32>,
      %swap3A_114 = vector.shape_cast %swap3A_113 : vector<1x16xf32> to vector<16xf32>
      %swap3A_115 = vector.shape_cast %broadcast_in_dim3A_21 : vector<16xf32> to vector<1x16xf32>
      tpu.vector_store %arg7[%swap3A_111, %swap3A_112], %swap3A_115 {strides = array<i32>} : memref<128x128xf32, #tpu.memory_space<vmem>>, vector<1x16xf32>,
      %swap3A_116 = arith.index_cast %scan3A_96 : i32 to index
      %swap3A_117 = arith.constant 64 : index
      %swap3A_118 = tpu.vector_load %arg7[%swap3A_116, %swap3A_117] {strides = array<i32>} : memref<128x128xf32, #tpu.memory_space<vmem>>, vector<1x16xf32>,
      %swap3A_119 = vector.shape_cast %swap3A_118 : vector<1x16xf32> to vector<16xf32>
      %swap3A_120 = vector.shape_cast %broadcast_in_dim3A_21 : vector<16xf32> to vector<1x16xf32>
      tpu.vector_store %arg7[%swap3A_116, %swap3A_117], %swap3A_120 {strides = array<i32>} : memref<128x128xf32, #tpu.memory_space<vmem>>, vector<1x16xf32>,
      %swap3A_121 = arith.index_cast %scan3A_96 : i32 to index
      %swap3A_122 = arith.constant 80 : index
      %swap3A_123 = tpu.vector_load %arg7[%swap3A_121, %swap3A_122] {strides = array<i32>} : memref<128x128xf32, #tpu.memory_space<vmem>>, vector<1x16xf32>,
      %swap3A_124 = vector.shape_cast %swap3A_123 : vector<1x16xf32> to vector<16xf32>
      %swap3A_125 = vector.shape_cast %broadcast_in_dim3A_21 : vector<16xf32> to vector<1x16xf32>
      tpu.vector_store %arg7[%swap3A_121, %swap3A_122], %swap3A_125 {strides = array<i32>} : memref<128x128xf32, #tpu.memory_space<vmem>>, vector<1x16xf32>,
      %swap3A_126 = arith.index_cast %scan3A_96 : i32 to index
      %swap3A_127 = arith.constant 96 : index
      %swap3A_128 = tpu.vector_load %arg7[%swap3A_126, %swap3A_127] {strides = array<i32>} : memref<128x128xf32, #tpu.memory_space<vmem>>, vector<1x16xf32>,
      %swap3A_129 = vector.shape_cast %swap3A_128 : vector<1x16xf32> to vector<16xf32>
      %swap3A_130 = vector.shape_cast %broadcast_in_dim3A_21 : vector<16xf32> to vector<1x16xf32>
      tpu.vector_store %arg7[%swap3A_126, %swap3A_127], %swap3A_130 {strides = array<i32>} : memref<128x128xf32, #tpu.memory_space<vmem>>, vector<1x16xf32>,
      %swap3A_131 = arith.index_cast %scan3A_96 : i32 to index
      %swap3A_132 = arith.constant 112 : index
      %swap3A_133 = tpu.vector_load %arg7[%swap3A_131, %swap3A_132] {strides = array<i32>} : memref<128x128xf32, #tpu.memory_space<vmem>>, vector<1x16xf32>,
      %swap3A_134 = vector.shape_cast %swap3A_133 : vector<1x16xf32> to vector<16xf32>
      %swap3A_135 = vector.shape_cast %broadcast_in_dim3A_21 : vector<16xf32> to vector<1x16xf32>
      tpu.vector_store %arg7[%swap3A_131, %swap3A_132], %swap3A_135 {strides = array<i32>} : memref<128x128xf32, #tpu.memory_space<vmem>>, vector<1x16xf32>,
    }
    %scan3A_26 = arith.constant 128 : i32
    %add3A_27 = arith.constant 0 : i32
    %add3A_28 = arith.addi %multiple_of3A, %add3A_27 : i32
    "tpu.region"() ({
      %run_scoped3A_96 = tpu.sem_alloc : memref<!tpu.dma_semaphore, #tpu.memory_space<semaphore_mem>>
      %dma_start3A_97 = arith.constant 0 : i32
      %dma_start3A_98 = tpu.memref_slice %arg9[%add3A_28, %dma_start3A_97] : memref<10016x128xf32, #tpu.memory_space<vmem_shared>> -> memref<128x128xf32, #tpu.memory_space<vmem_shared>>
      %dma_start3A_99 = arith.constant 0 : i32
      %dma_start3A_100 = tpu.memref_slice %arg9[%add3A_28, %dma_start3A_99] : memref<10016x128xf32, #tpu.memory_space<vmem_shared>> -> memref<128x128xf32, #tpu.memory_space<vmem_shared>>
      tpu.enqueue_dma source(%arg7 : memref<128x128xf32, #tpu.memory_space<vmem>>) target(%dma_start3A_100 : memref<128x128xf32, #tpu.memory_space<vmem_shared>>) target_semaphore(%run_scoped3A_96 : memref<!tpu.dma_semaphore, #tpu.memory_space<semaphore_mem>>)
      %dma_wait3A_101 = arith.constant 0 : i32
      %dma_wait3A_102 = tpu.memref_slice %arg9[%add3A_28, %dma_wait3A_101] : memref<10016x128xf32, #tpu.memory_space<vmem_shared>> -> memref<128x128xf32, #tpu.memory_space<vmem_shared>>
      %dma_wait3A_103 = arith.constant 0 : i32
      %dma_wait3A_104 = tpu.memref_slice %arg9[%add3A_28, %dma_wait3A_103] : memref<10016x128xf32, #tpu.memory_space<vmem_shared>> -> memref<128x128xf32, #tpu.memory_space<vmem_shared>>
      tpu.wait_dma2 semaphore(%run_scoped3A_96 : memref<!tpu.dma_semaphore, #tpu.memory_space<semaphore_mem>>) src(%arg7 : memref<128x128xf32, #tpu.memory_space<vmem>>) dst(%dma_wait3A_104 : memref<128x128xf32, #tpu.memory_space<vmem_shared>>)
      tpu.yield
    }) : () -> ()
    %add3A_29 = arith.constant 128 : i32
    %add3A_30 = arith.addi %multiple_of3A, %add3A_29 : i32
    "tpu.region"() ({
      %run_scoped3A_96 = tpu.sem_alloc : memref<!tpu.dma_semaphore, #tpu.memory_space<semaphore_mem>>
      %dma_start3A_97 = arith.constant 0 : i32
      %dma_start3A_98 = tpu.memref_slice %arg9[%add3A_30, %dma_start3A_97] : memref<10016x128xf32, #tpu.memory_space<vmem_shared>> -> memref<128x128xf32, #tpu.memory_space<vmem_shared>>
      %dma_start3A_99 = arith.constant 0 : i32
      %dma_start3A_100 = tpu.memref_slice %arg9[%add3A_30, %dma_start3A_99] : memref<10016x128xf32, #tpu.memory_space<vmem_shared>> -> memref<128x128xf32, #tpu.memory_space<vmem_shared>>
      tpu.enqueue_dma source(%arg7 : memref<128x128xf32, #tpu.memory_space<vmem>>) target(%dma_start3A_100 : memref<128x128xf32, #tpu.memory_space<vmem_shared>>) target_semaphore(%run_scoped3A_96 : memref<!tpu.dma_semaphore, #tpu.memory_space<semaphore_mem>>)
      %dma_wait3A_101 = arith.constant 0 : i32
      %dma_wait3A_102 = tpu.memref_slice %arg9[%add3A_30, %dma_wait3A_101] : memref<10016x128xf32, #tpu.memory_space<vmem_shared>> -> memref<128x128xf32, #tpu.memory_space<vmem_shared>>
      %dma_wait3A_103 = arith.constant 0 : i32
      %dma_wait3A_104 = tpu.memref_slice %arg9[%add3A_30, %dma_wait3A_103] : memref<10016x128xf32, #tpu.memory_space<vmem_shared>> -> memref<128x128xf32, #tpu.memory_space<vmem_shared>>
      tpu.wait_dma2 semaphore(%run_scoped3A_96 : memref<!tpu.dma_semaphore, #tpu.memory_space<semaphore_mem>>) src(%arg7 : memref<128x128xf32, #tpu.memory_space<vmem>>) dst(%dma_wait3A_104 : memref<128x128xf32, #tpu.memory_space<vmem_shared>>)
      tpu.yield
    }) : () -> ()
    %add3A_31 = arith.constant 256 : i32
    %add3A_32 = arith.addi %multiple_of3A, %add3A_31 : i32
    "tpu.region"() ({
      %run_scoped3A_96 = tpu.sem_alloc : memref<!tpu.dma_semaphore, #tpu.memory_space<semaphore_mem>>
      %dma_start3A_97 = arith.constant 0 : i32
      %dma_start3A_98 = tpu.memref_slice %arg9[%add3A_32, %dma_start3A_97] : memref<10016x128xf32, #tpu.memory_space<vmem_shared>> -> memref<128x128xf32, #tpu.memory_space<vmem_shared>>
      %dma_start3A_99 = arith.constant 0 : i32
      %dma_start3A_100 = tpu.memref_slice %arg9[%add3A_32, %dma_start3A_99] : memref<10016x128xf32, #tpu.memory_space<vmem_shared>> -> memref<128x128xf32, #tpu.memory_space<vmem_shared>>
      tpu.enqueue_dma source(%arg7 : memref<128x128xf32, #tpu.memory_space<vmem>>) target(%dma_start3A_100 : memref<128x128xf32, #tpu.memory_space<vmem_shared>>) target_semaphore(%run_scoped3A_96 : memref<!tpu.dma_semaphore, #tpu.memory_space<semaphore_mem>>)
      %dma_wait3A_101 = arith.constant 0 : i32
      %dma_wait3A_102 = tpu.memref_slice %arg9[%add3A_32, %dma_wait3A_101] : memref<10016x128xf32, #tpu.memory_space<vmem_shared>> -> memref<128x128xf32, #tpu.memory_space<vmem_shared>>
      %dma_wait3A_103 = arith.constant 0 : i32
      %dma_wait3A_104 = tpu.memref_slice %arg9[%add3A_32, %dma_wait3A_103] : memref<10016x128xf32, #tpu.memory_space<vmem_shared>> -> memref<128x128xf32, #tpu.memory_space<vmem_shared>>
      tpu.wait_dma2 semaphore(%run_scoped3A_96 : memref<!tpu.dma_semaphore, #tpu.memory_space<semaphore_mem>>) src(%arg7 : memref<128x128xf32, #tpu.memory_space<vmem>>) dst(%dma_wait3A_104 : memref<128x128xf32, #tpu.memory_space<vmem_shared>>)
      tpu.yield
    }) : () -> ()
    %add3A_33 = arith.constant 384 : i32
    %add3A_34 = arith.addi %multiple_of3A, %add3A_33 : i32
    "tpu.region"() ({
      %run_scoped3A_96 = tpu.sem_alloc : memref<!tpu.dma_semaphore, #tpu.memory_space<semaphore_mem>>
      %dma_start3A_97 = arith.constant 0 : i32
      %dma_start3A_98 = tpu.memref_slice %arg9[%add3A_34, %dma_start3A_97] : memref<10016x128xf32, #tpu.memory_space<vmem_shared>> -> memref<128x128xf32, #tpu.memory_space<vmem_shared>>
      %dma_start3A_99 = arith.constant 0 : i32
      %dma_start3A_100 = tpu.memref_slice %arg9[%add3A_34, %dma_start3A_99] : memref<10016x128xf32, #tpu.memory_space<vmem_shared>> -> memref<128x128xf32, #tpu.memory_space<vmem_shared>>
      tpu.enqueue_dma source(%arg7 : memref<128x128xf32, #tpu.memory_space<vmem>>) target(%dma_start3A_100 : memref<128x128xf32, #tpu.memory_space<vmem_shared>>) target_semaphore(%run_scoped3A_96 : memref<!tpu.dma_semaphore, #tpu.memory_space<semaphore_mem>>)
      %dma_wait3A_101 = arith.constant 0 : i32
      %dma_wait3A_102 = tpu.memref_slice %arg9[%add3A_34, %dma_wait3A_101] : memref<10016x128xf32, #tpu.memory_space<vmem_shared>> -> memref<128x128xf32, #tpu.memory_space<vmem_shared>>
      %dma_wait3A_103 = arith.constant 0 : i32
      %dma_wait3A_104 = tpu.memref_slice %arg9[%add3A_34, %dma_wait3A_103] : memref<10016x128xf32, #tpu.memory_space<vmem_shared>> -> memref<128x128xf32, #tpu.memory_space<vmem_shared>>
      tpu.wait_dma2 semaphore(%run_scoped3A_96 : memref<!tpu.dma_semaphore, #tpu.memory_space<semaphore_mem>>) src(%arg7 : memref<128x128xf32, #tpu.memory_space<vmem>>) dst(%dma_wait3A_104 : memref<128x128xf32, #tpu.memory_space<vmem_shared>>)
      tpu.yield
    }) : () -> ()
    %add3A_35 = arith.constant 512 : i32
    %add3A_36 = arith.addi %multiple_of3A, %add3A_35 : i32
    "tpu.region"() ({
      %run_scoped3A_96 = tpu.sem_alloc : memref<!tpu.dma_semaphore, #tpu.memory_space<semaphore_mem>>
      %dma_start3A_97 = arith.constant 0 : i32
      %dma_start3A_98 = tpu.memref_slice %arg9[%add3A_36, %dma_start3A_97] : memref<10016x128xf32, #tpu.memory_space<vmem_shared>> -> memref<128x128xf32, #tpu.memory_space<vmem_shared>>
      %dma_start3A_99 = arith.constant 0 : i32
      %dma_start3A_100 = tpu.memref_slice %arg9[%add3A_36, %dma_start3A_99] : memref<10016x128xf32, #tpu.memory_space<vmem_shared>> -> memref<128x128xf32, #tpu.memory_space<vmem_shared>>
      tpu.enqueue_dma source(%arg7 : memref<128x128xf32, #tpu.memory_space<vmem>>) target(%dma_start3A_100 : memref<128x128xf32, #tpu.memory_space<vmem_shared>>) target_semaphore(%run_scoped3A_96 : memref<!tpu.dma_semaphore, #tpu.memory_space<semaphore_mem>>)
      %dma_wait3A_101 = arith.constant 0 : i32
      %dma_wait3A_102 = tpu.memref_slice %arg9[%add3A_36, %dma_wait3A_101] : memref<10016x128xf32, #tpu.memory_space<vmem_shared>> -> memref<128x128xf32, #tpu.memory_space<vmem_shared>>
      %dma_wait3A_103 = arith.constant 0 : i32
      %dma_wait3A_104 = tpu.memref_slice %arg9[%add3A_36, %dma_wait3A_103] : memref<10016x128xf32, #tpu.memory_space<vmem_shared>> -> memref<128x128xf32, #tpu.memory_space<vmem_shared>>
      tpu.wait_dma2 semaphore(%run_scoped3A_96 : memref<!tpu.dma_semaphore, #tpu.memory_space<semaphore_mem>>) src(%arg7 : memref<128x128xf32, #tpu.memory_space<vmem>>) dst(%dma_wait3A_104 : memref<128x128xf32, #tpu.memory_space<vmem_shared>>)
      tpu.yield
    }) : () -> ()
    %dma_wait3A = arith.constant 0 : i32
    %dma_wait3A_37 = arith.constant 0 : i32
    %dma_wait3A_38 = arith.constant 0 : i32
    %dma_wait3A_39 = tpu.memref_slice %arg2[%dma_wait3A, %add3A, %dma_wait3A_37, %dma_wait3A_38] : memref<2x32x80x128xi32, #tpu.memory_space<hbm>> -> memref<1x1x40x128xi32, #tpu.memory_space<hbm>>
    %dma_wait3A_40 = tpu.memref_squeeze %dma_wait3A_39 : memref<1x1x40x128xi32, #tpu.memory_space<hbm>> -> memref<40x128xi32, #tpu.memory_space<hbm>>
    %dma_wait3A_41 = arith.constant 0 : i32
    %dma_wait3A_42 = arith.constant 0 : i32
    %dma_wait3A_43 = tpu.memref_slice %arg2[%dma_wait3A, %add3A, %dma_wait3A_41, %dma_wait3A_42] : memref<2x32x80x128xi32, #tpu.memory_space<hbm>> -> memref<1x1x40x128xi32, #tpu.memory_space<hbm>>
    %dma_wait3A_44 = tpu.memref_squeeze %dma_wait3A_43 : memref<1x1x40x128xi32, #tpu.memory_space<hbm>> -> memref<40x128xi32, #tpu.memory_space<hbm>>
    tpu.wait_dma2 semaphore(%arg10 : memref<!tpu.dma_semaphore, #tpu.memory_space<semaphore_mem>>) src(%dma_wait3A_44 : memref<40x128xi32, #tpu.memory_space<hbm>>) dst(%arg5 : memref<40x128xi32, #tpu.memory_space<vmem>>)
    %dma_wait3A_45 = arith.constant 1 : i32
    %dma_wait3A_46 = arith.constant 0 : i32
    %dma_wait3A_47 = arith.constant 0 : i32
    %dma_wait3A_48 = tpu.memref_slice %arg2[%dma_wait3A_45, %add3A, %dma_wait3A_46, %dma_wait3A_47] : memref<2x32x80x128xi32, #tpu.memory_space<hbm>> -> memref<1x1x40x128xi32, #tpu.memory_space<hbm>>
    %dma_wait3A_49 = tpu.memref_squeeze %dma_wait3A_48 : memref<1x1x40x128xi32, #tpu.memory_space<hbm>> -> memref<40x128xi32, #tpu.memory_space<hbm>>
    %dma_wait3A_50 = arith.constant 0 : i32
    %dma_wait3A_51 = arith.constant 0 : i32
    %dma_wait3A_52 = tpu.memref_slice %arg2[%dma_wait3A_45, %add3A, %dma_wait3A_50, %dma_wait3A_51] : memref<2x32x80x128xi32, #tpu.memory_space<hbm>> -> memref<1x1x40x128xi32, #tpu.memory_space<hbm>>
    %dma_wait3A_53 = tpu.memref_squeeze %dma_wait3A_52 : memref<1x1x40x128xi32, #tpu.memory_space<hbm>> -> memref<40x128xi32, #tpu.memory_space<hbm>>
    tpu.wait_dma2 semaphore(%arg11 : memref<!tpu.dma_semaphore, #tpu.memory_space<semaphore_mem>>) src(%dma_wait3A_53 : memref<40x128xi32, #tpu.memory_space<hbm>>) dst(%arg6 : memref<40x128xi32, #tpu.memory_space<vmem>>)
    %barrier3A = arith.constant 0 : index
    tpu.barrier barrier_id(%barrier3A)
    %dma_start3A_54 = arith.constant 0 : i32
    %dma_start3A_55 = arith.constant 0 : i32
    %dma_start3A_56 = tpu.memref_slice %arg5[%dma_start3A_54, %dma_start3A_55] : memref<40x128xi32, #tpu.memory_space<vmem>> -> memref<1x128xi32, #tpu.memory_space<vmem>>
    %dma_start3A_57 = tpu.memref_squeeze %dma_start3A_56 : memref<1x128xi32, #tpu.memory_space<vmem>> -> memref<128xi32, #tpu.memory_space<vmem>>
    %dma_start3A_58 = arith.constant 0 : i32
    %dma_start3A_59 = arith.constant 0 : i32
    %dma_start3A_60 = tpu.memref_slice %arg3[%dma_start3A_58, %dma_start3A_59] : memref<80000x128xf32, #tpu.memory_space<hbm>> -> memref<80000x128xf32, #tpu.memory_space<hbm>>
    tpu.enqueue_indirect_dma source(%dma_start3A_60 : memref<80000x128xf32, #tpu.memory_space<hbm>>) target(%arg7 : memref<128x128xf32, #tpu.memory_space<vmem>>) offsets(%dma_start3A_57 : memref<128xi32, #tpu.memory_space<vmem>>) semaphore(%arg10 : memref<!tpu.dma_semaphore, #tpu.memory_space<semaphore_mem>>)
    %dma_start3A_61 = arith.constant 1 : i32
    %dma_start3A_62 = arith.constant 0 : i32
    %dma_start3A_63 = tpu.memref_slice %arg5[%dma_start3A_61, %dma_start3A_62] : memref<40x128xi32, #tpu.memory_space<vmem>> -> memref<1x128xi32, #tpu.memory_space<vmem>>
    %dma_start3A_64 = tpu.memref_squeeze %dma_start3A_63 : memref<1x128xi32, #tpu.memory_space<vmem>> -> memref<128xi32, #tpu.memory_space<vmem>>
    %dma_start3A_65 = arith.constant 0 : i32
    %dma_start3A_66 = arith.constant 0 : i32
    %dma_start3A_67 = tpu.memref_slice %arg3[%dma_start3A_65, %dma_start3A_66] : memref<80000x128xf32, #tpu.memory_space<hbm>> -> memref<80000x128xf32, #tpu.memory_space<hbm>>
    tpu.enqueue_indirect_dma source(%dma_start3A_67 : memref<80000x128xf32, #tpu.memory_space<hbm>>) target(%arg8 : memref<128x128xf32, #tpu.memory_space<vmem>>) offsets(%dma_start3A_64 : memref<128xi32, #tpu.memory_space<vmem>>) semaphore(%arg11 : memref<!tpu.dma_semaphore, #tpu.memory_space<semaphore_mem>>)
    %scan3A_68 = arith.constant 0 : i32
    %scan3A_69 = arith.constant 0 : i32
    %scan3A_70 = arith.constant 20 : i32
    %scan3A_71 = arith.addi %scan3A_69, %scan3A_70 : i32
    %scan3A_72 = arith.constant 1 : i32
    scf.for %scan3A_96 = %scan3A_69 to %scan3A_71 step %scan3A_72  : i32 {
      %mul3A_97 = arith.constant 2 : i32
      %mul3A_98 = arith.muli %scan3A_96, %mul3A_97 : i32
      %dma_wait3A_99 = arith.constant 0 : i32
      %dma_wait3A_100 = arith.constant 0 : i32
      %dma_wait3A_101 = tpu.memref_slice %arg5[%dma_wait3A_99, %dma_wait3A_100] : memref<40x128xi32, #tpu.memory_space<vmem>> -> memref<1x128xi32, #tpu.memory_space<vmem>>
      %dma_wait3A_102 = tpu.memref_squeeze %dma_wait3A_101 : memref<1x128xi32, #tpu.memory_space<vmem>> -> memref<128xi32, #tpu.memory_space<vmem>>
      %dma_wait3A_103 = arith.constant 0 : i32
      %dma_wait3A_104 = arith.constant 0 : i32
      %dma_wait3A_105 = tpu.memref_slice %arg3[%dma_wait3A_103, %dma_wait3A_104] : memref<80000x128xf32, #tpu.memory_space<hbm>> -> memref<80000x128xf32, #tpu.memory_space<hbm>>
      tpu.wait_indirect_dma semaphore(%arg10 : memref<!tpu.dma_semaphore, #tpu.memory_space<semaphore_mem>>) src(%dma_wait3A_105 : memref<80000x128xf32, #tpu.memory_space<hbm>>) dst(%arg7 : memref<128x128xf32, #tpu.memory_space<vmem>>)
      "tpu.region"() ({
        %run_scoped3A_126 = tpu.sem_alloc : memref<!tpu.dma_semaphore, #tpu.memory_space<semaphore_mem>>
        %dma_start3A_127 = arith.constant 0 : i32
        %dma_start3A_128 = tpu.memref_slice %arg6[%mul3A_98, %dma_start3A_127] : memref<40x128xi32, #tpu.memory_space<vmem>> -> memref<1x128xi32, #tpu.memory_space<vmem>>
        %dma_start3A_129 = tpu.memref_squeeze %dma_start3A_128 : memref<1x128xi32, #tpu.memory_space<vmem>> -> memref<128xi32, #tpu.memory_space<vmem>>
        %dma_start3A_130 = arith.constant 0 : i32
        %dma_start3A_131 = arith.constant 0 : i32
        %dma_start3A_132 = tpu.memref_slice %arg9[%dma_start3A_130, %dma_start3A_131] : memref<10016x128xf32, #tpu.memory_space<vmem_shared>> -> memref<10016x128xf32, #tpu.memory_space<vmem_shared>>
        tpu.enqueue_indirect_dma source(%arg7 : memref<128x128xf32, #tpu.memory_space<vmem>>) target(%dma_start3A_132 : memref<10016x128xf32, #tpu.memory_space<vmem_shared>>) offsets(%dma_start3A_129 : memref<128xi32, #tpu.memory_space<vmem>>) semaphore(%run_scoped3A_126 : memref<!tpu.dma_semaphore, #tpu.memory_space<semaphore_mem>>) {add = true}
        %dma_wait3A_133 = arith.constant 0 : i32
        %dma_wait3A_134 = tpu.memref_slice %arg6[%mul3A_98, %dma_wait3A_133] : memref<40x128xi32, #tpu.memory_space<vmem>> -> memref<1x128xi32, #tpu.memory_space<vmem>>
        %dma_wait3A_135 = tpu.memref_squeeze %dma_wait3A_134 : memref<1x128xi32, #tpu.memory_space<vmem>> -> memref<128xi32, #tpu.memory_space<vmem>>
        %dma_wait3A_136 = arith.constant 0 : i32
        %dma_wait3A_137 = arith.constant 0 : i32
        %dma_wait3A_138 = tpu.memref_slice %arg9[%dma_wait3A_136, %dma_wait3A_137] : memref<10016x128xf32, #tpu.memory_space<vmem_shared>> -> memref<10016x128xf32, #tpu.memory_space<vmem_shared>>
        tpu.wait_indirect_dma semaphore(%run_scoped3A_126 : memref<!tpu.dma_semaphore, #tpu.memory_space<semaphore_mem>>) src(%arg7 : memref<128x128xf32, #tpu.memory_space<vmem>>) dst(%dma_wait3A_138 : memref<10016x128xf32, #tpu.memory_space<vmem_shared>>)
        tpu.yield
      }) : () -> ()
      %add3A_106 = arith.constant 2 : i32
      %add3A_107 = arith.addi %mul3A_98, %add3A_106 : i32
      %lt3A = arith.constant 40 : i32
      %lt3A_108 = arith.cmpi slt, %add3A_107, %lt3A : i32
      %convert_element_type3A = arith.extui %lt3A_108 : i1 to i32
      %cond3A = arith.constant 0 : i32
      %cond3A_109 = arith.cmpi ne, %convert_element_type3A, %cond3A : i32
      scf.if %cond3A_109 {
        %add3A_126 = arith.constant 2 : i32
        %add3A_127 = arith.addi %mul3A_98, %add3A_126 : i32
        %dma_start3A_128 = arith.constant 0 : i32
        %dma_start3A_129 = tpu.memref_slice %arg5[%add3A_127, %dma_start3A_128] : memref<40x128xi32, #tpu.memory_space<vmem>> -> memref<1x128xi32, #tpu.memory_space<vmem>>
        %dma_start3A_130 = tpu.memref_squeeze %dma_start3A_129 : memref<1x128xi32, #tpu.memory_space<vmem>> -> memref<128xi32, #tpu.memory_space<vmem>>
        %dma_start3A_131 = arith.constant 0 : i32
        %dma_start3A_132 = arith.constant 0 : i32
        %dma_start3A_133 = tpu.memref_slice %arg3[%dma_start3A_131, %dma_start3A_132] : memref<80000x128xf32, #tpu.memory_space<hbm>> -> memref<80000x128xf32, #tpu.memory_space<hbm>>
        tpu.enqueue_indirect_dma source(%dma_start3A_133 : memref<80000x128xf32, #tpu.memory_space<hbm>>) target(%arg7 : memref<128x128xf32, #tpu.memory_space<vmem>>) offsets(%dma_start3A_130 : memref<128xi32, #tpu.memory_space<vmem>>) semaphore(%arg10 : memref<!tpu.dma_semaphore, #tpu.memory_space<semaphore_mem>>)
      } else {
      }
      %dma_wait3A_110 = arith.constant 0 : i32
      %dma_wait3A_111 = arith.constant 0 : i32
      %dma_wait3A_112 = tpu.memref_slice %arg5[%dma_wait3A_110, %dma_wait3A_111] : memref<40x128xi32, #tpu.memory_space<vmem>> -> memref<1x128xi32, #tpu.memory_space<vmem>>
      %dma_wait3A_113 = tpu.memref_squeeze %dma_wait3A_112 : memref<1x128xi32, #tpu.memory_space<vmem>> -> memref<128xi32, #tpu.memory_space<vmem>>
      %dma_wait3A_114 = arith.constant 0 : i32
      %dma_wait3A_115 = arith.constant 0 : i32
      %dma_wait3A_116 = tpu.memref_slice %arg3[%dma_wait3A_114, %dma_wait3A_115] : memref<80000x128xf32, #tpu.memory_space<hbm>> -> memref<80000x128xf32, #tpu.memory_space<hbm>>
      tpu.wait_indirect_dma semaphore(%arg11 : memref<!tpu.dma_semaphore, #tpu.memory_space<semaphore_mem>>) src(%dma_wait3A_116 : memref<80000x128xf32, #tpu.memory_space<hbm>>) dst(%arg8 : memref<128x128xf32, #tpu.memory_space<vmem>>)
      %add3A_117 = arith.constant 1 : i32
      %add3A_118 = arith.addi %mul3A_98, %add3A_117 : i32
      "tpu.region"() ({
        %run_scoped3A_126 = tpu.sem_alloc : memref<!tpu.dma_semaphore, #tpu.memory_space<semaphore_mem>>
        %dma_start3A_127 = arith.constant 0 : i32
        %dma_start3A_128 = tpu.memref_slice %arg6[%add3A_118, %dma_start3A_127] : memref<40x128xi32, #tpu.memory_space<vmem>> -> memref<1x128xi32, #tpu.memory_space<vmem>>
        %dma_start3A_129 = tpu.memref_squeeze %dma_start3A_128 : memref<1x128xi32, #tpu.memory_space<vmem>> -> memref<128xi32, #tpu.memory_space<vmem>>
        %dma_start3A_130 = arith.constant 0 : i32
        %dma_start3A_131 = arith.constant 0 : i32
        %dma_start3A_132 = tpu.memref_slice %arg9[%dma_start3A_130, %dma_start3A_131] : memref<10016x128xf32, #tpu.memory_space<vmem_shared>> -> memref<10016x128xf32, #tpu.memory_space<vmem_shared>>
        tpu.enqueue_indirect_dma source(%arg8 : memref<128x128xf32, #tpu.memory_space<vmem>>) target(%dma_start3A_132 : memref<10016x128xf32, #tpu.memory_space<vmem_shared>>) offsets(%dma_start3A_129 : memref<128xi32, #tpu.memory_space<vmem>>) semaphore(%run_scoped3A_126 : memref<!tpu.dma_semaphore, #tpu.memory_space<semaphore_mem>>) {add = true}
        %dma_wait3A_133 = arith.constant 0 : i32
        %dma_wait3A_134 = tpu.memref_slice %arg6[%add3A_118, %dma_wait3A_133] : memref<40x128xi32, #tpu.memory_space<vmem>> -> memref<1x128xi32, #tpu.memory_space<vmem>>
        %dma_wait3A_135 = tpu.memref_squeeze %dma_wait3A_134 : memref<1x128xi32, #tpu.memory_space<vmem>> -> memref<128xi32, #tpu.memory_space<vmem>>
        %dma_wait3A_136 = arith.constant 0 : i32
        %dma_wait3A_137 = arith.constant 0 : i32
        %dma_wait3A_138 = tpu.memref_slice %arg9[%dma_wait3A_136, %dma_wait3A_137] : memref<10016x128xf32, #tpu.memory_space<vmem_shared>> -> memref<10016x128xf32, #tpu.memory_space<vmem_shared>>
        tpu.wait_indirect_dma semaphore(%run_scoped3A_126 : memref<!tpu.dma_semaphore, #tpu.memory_space<semaphore_mem>>) src(%arg8 : memref<128x128xf32, #tpu.memory_space<vmem>>) dst(%dma_wait3A_138 : memref<10016x128xf32, #tpu.memory_space<vmem_shared>>)
        tpu.yield
      }) : () -> ()
      %add3A_119 = arith.constant 3 : i32
      %add3A_120 = arith.addi %mul3A_98, %add3A_119 : i32
      %lt3A_121 = arith.constant 40 : i32
      %lt3A_122 = arith.cmpi slt, %add3A_120, %lt3A_121 : i32
      %convert_element_type3A_123 = arith.extui %lt3A_122 : i1 to i32
      %cond3A_124 = arith.constant 0 : i32
      %cond3A_125 = arith.cmpi ne, %convert_element_type3A_123, %cond3A_124 : i32
      scf.if %cond3A_125 {
        %add3A_126 = arith.constant 3 : i32
        %add3A_127 = arith.addi %mul3A_98, %add3A_126 : i32
        %dma_start3A_128 = arith.constant 0 : i32
        %dma_start3A_129 = tpu.memref_slice %arg5[%add3A_127, %dma_start3A_128] : memref<40x128xi32, #tpu.memory_space<vmem>> -> memref<1x128xi32, #tpu.memory_space<vmem>>
        %dma_start3A_130 = tpu.memref_squeeze %dma_start3A_129 : memref<1x128xi32, #tpu.memory_space<vmem>> -> memref<128xi32, #tpu.memory_space<vmem>>
        %dma_start3A_131 = arith.constant 0 : i32
        %dma_start3A_132 = arith.constant 0 : i32
        %dma_start3A_133 = tpu.memref_slice %arg3[%dma_start3A_131, %dma_start3A_132] : memref<80000x128xf32, #tpu.memory_space<hbm>> -> memref<80000x128xf32, #tpu.memory_space<hbm>>
        tpu.enqueue_indirect_dma source(%dma_start3A_133 : memref<80000x128xf32, #tpu.memory_space<hbm>>) target(%arg8 : memref<128x128xf32, #tpu.memory_space<vmem>>) offsets(%dma_start3A_130 : memref<128xi32, #tpu.memory_space<vmem>>) semaphore(%arg11 : memref<!tpu.dma_semaphore, #tpu.memory_space<semaphore_mem>>)
      } else {
      }
    }
    %scan3A_73 = arith.constant 20 : i32
    %run_scoped3A = arith.constant 0 : i32
    "tpu.region"() ({
      %run_scoped3A_96 = tpu.sem_alloc : memref<!tpu.dma_semaphore, #tpu.memory_space<semaphore_mem>>
      %dma_start3A_97 = arith.constant 40 : i32
      %dma_start3A_98 = arith.constant 0 : i32
      %dma_start3A_99 = tpu.memref_slice %arg2[%run_scoped3A, %add3A, %dma_start3A_97, %dma_start3A_98] : memref<2x32x80x128xi32, #tpu.memory_space<hbm>> -> memref<1x1x40x128xi32, #tpu.memory_space<hbm>>
      %dma_start3A_100 = tpu.memref_squeeze %dma_start3A_99 : memref<1x1x40x128xi32, #tpu.memory_space<hbm>> -> memref<40x128xi32, #tpu.memory_space<hbm>>
      %dma_start3A_101 = arith.constant 40 : i32
      %dma_start3A_102 = arith.constant 0 : i32
      %dma_start3A_103 = tpu.memref_slice %arg2[%run_scoped3A, %add3A, %dma_start3A_101, %dma_start3A_102] : memref<2x32x80x128xi32, #tpu.memory_space<hbm>> -> memref<1x1x40x128xi32, #tpu.memory_space<hbm>>
      %dma_start3A_104 = tpu.memref_squeeze %dma_start3A_103 : memref<1x1x40x128xi32, #tpu.memory_space<hbm>> -> memref<40x128xi32, #tpu.memory_space<hbm>>
      tpu.enqueue_dma source(%dma_start3A_104 : memref<40x128xi32, #tpu.memory_space<hbm>>) target(%arg5 : memref<40x128xi32, #tpu.memory_space<vmem>>) target_semaphore(%run_scoped3A_96 : memref<!tpu.dma_semaphore, #tpu.memory_space<semaphore_mem>>)
      %dma_wait3A_105 = arith.constant 40 : i32
      %dma_wait3A_106 = arith.constant 0 : i32
      %dma_wait3A_107 = tpu.memref_slice %arg2[%run_scoped3A, %add3A, %dma_wait3A_105, %dma_wait3A_106] : memref<2x32x80x128xi32, #tpu.memory_space<hbm>> -> memref<1x1x40x128xi32, #tpu.memory_space<hbm>>
      %dma_wait3A_108 = tpu.memref_squeeze %dma_wait3A_107 : memref<1x1x40x128xi32, #tpu.memory_space<hbm>> -> memref<40x128xi32, #tpu.memory_space<hbm>>
      %dma_wait3A_109 = arith.constant 40 : i32
      %dma_wait3A_110 = arith.constant 0 : i32
      %dma_wait3A_111 = tpu.memref_slice %arg2[%run_scoped3A, %add3A, %dma_wait3A_109, %dma_wait3A_110] : memref<2x32x80x128xi32, #tpu.memory_space<hbm>> -> memref<1x1x40x128xi32, #tpu.memory_space<hbm>>
      %dma_wait3A_112 = tpu.memref_squeeze %dma_wait3A_111 : memref<1x1x40x128xi32, #tpu.memory_space<hbm>> -> memref<40x128xi32, #tpu.memory_space<hbm>>
      tpu.wait_dma2 semaphore(%run_scoped3A_96 : memref<!tpu.dma_semaphore, #tpu.memory_space<semaphore_mem>>) src(%dma_wait3A_112 : memref<40x128xi32, #tpu.memory_space<hbm>>) dst(%arg5 : memref<40x128xi32, #tpu.memory_space<vmem>>)
      tpu.yield
    }) : () -> ()
    %run_scoped3A_74 = arith.constant 1 : i32
    "tpu.region"() ({
      %run_scoped3A_96 = tpu.sem_alloc : memref<!tpu.dma_semaphore, #tpu.memory_space<semaphore_mem>>
      %dma_start3A_97 = arith.constant 40 : i32
      %dma_start3A_98 = arith.constant 0 : i32
      %dma_start3A_99 = tpu.memref_slice %arg2[%run_scoped3A_74, %add3A, %dma_start3A_97, %dma_start3A_98] : memref<2x32x80x128xi32, #tpu.memory_space<hbm>> -> memref<1x1x40x128xi32, #tpu.memory_space<hbm>>
      %dma_start3A_100 = tpu.memref_squeeze %dma_start3A_99 : memref<1x1x40x128xi32, #tpu.memory_space<hbm>> -> memref<40x128xi32, #tpu.memory_space<hbm>>
      %dma_start3A_101 = arith.constant 40 : i32
      %dma_start3A_102 = arith.constant 0 : i32
      %dma_start3A_103 = tpu.memref_slice %arg2[%run_scoped3A_74, %add3A, %dma_start3A_101, %dma_start3A_102] : memref<2x32x80x128xi32, #tpu.memory_space<hbm>> -> memref<1x1x40x128xi32, #tpu.memory_space<hbm>>
      %dma_start3A_104 = tpu.memref_squeeze %dma_start3A_103 : memref<1x1x40x128xi32, #tpu.memory_space<hbm>> -> memref<40x128xi32, #tpu.memory_space<hbm>>
      tpu.enqueue_dma source(%dma_start3A_104 : memref<40x128xi32, #tpu.memory_space<hbm>>) target(%arg6 : memref<40x128xi32, #tpu.memory_space<vmem>>) target_semaphore(%run_scoped3A_96 : memref<!tpu.dma_semaphore, #tpu.memory_space<semaphore_mem>>)
      %dma_wait3A_105 = arith.constant 40 : i32
      %dma_wait3A_106 = arith.constant 0 : i32
      %dma_wait3A_107 = tpu.memref_slice %arg2[%run_scoped3A_74, %add3A, %dma_wait3A_105, %dma_wait3A_106] : memref<2x32x80x128xi32, #tpu.memory_space<hbm>> -> memref<1x1x40x128xi32, #tpu.memory_space<hbm>>
      %dma_wait3A_108 = tpu.memref_squeeze %dma_wait3A_107 : memref<1x1x40x128xi32, #tpu.memory_space<hbm>> -> memref<40x128xi32, #tpu.memory_space<hbm>>
      %dma_wait3A_109 = arith.constant 40 : i32
      %dma_wait3A_110 = arith.constant 0 : i32
      %dma_wait3A_111 = tpu.memref_slice %arg2[%run_scoped3A_74, %add3A, %dma_wait3A_109, %dma_wait3A_110] : memref<2x32x80x128xi32, #tpu.memory_space<hbm>> -> memref<1x1x40x128xi32, #tpu.memory_space<hbm>>
      %dma_wait3A_112 = tpu.memref_squeeze %dma_wait3A_111 : memref<1x1x40x128xi32, #tpu.memory_space<hbm>> -> memref<40x128xi32, #tpu.memory_space<hbm>>
      tpu.wait_dma2 semaphore(%run_scoped3A_96 : memref<!tpu.dma_semaphore, #tpu.memory_space<semaphore_mem>>) src(%dma_wait3A_112 : memref<40x128xi32, #tpu.memory_space<hbm>>) dst(%arg6 : memref<40x128xi32, #tpu.memory_space<vmem>>)
      tpu.yield
    }) : () -> ()
    %dma_start3A_75 = arith.constant 0 : i32
    %dma_start3A_76 = arith.constant 0 : i32
    %dma_start3A_77 = tpu.memref_slice %arg5[%dma_start3A_75, %dma_start3A_76] : memref<40x128xi32, #tpu.memory_space<vmem>> -> memref<1x128xi32, #tpu.memory_space<vmem>>
    %dma_start3A_78 = tpu.memref_squeeze %dma_start3A_77 : memref<1x128xi32, #tpu.memory_space<vmem>> -> memref<128xi32, #tpu.memory_space<vmem>>
    %dma_start3A_79 = arith.constant 0 : i32
    %dma_start3A_80 = arith.constant 0 : i32
    %dma_start3A_81 = tpu.memref_slice %arg3[%dma_start3A_79, %dma_start3A_80] : memref<80000x128xf32, #tpu.memory_space<hbm>> -> memref<80000x128xf32, #tpu.memory_space<hbm>>
    tpu.enqueue_indirect_dma source(%dma_start3A_81 : memref<80000x128xf32, #tpu.memory_space<hbm>>) target(%arg7 : memref<128x128xf32, #tpu.memory_space<vmem>>) offsets(%dma_start3A_78 : memref<128xi32, #tpu.memory_space<vmem>>) semaphore(%arg10 : memref<!tpu.dma_semaphore, #tpu.memory_space<semaphore_mem>>)
    %dma_start3A_82 = arith.constant 1 : i32
    %dma_start3A_83 = arith.constant 0 : i32
    %dma_start3A_84 = tpu.memref_slice %arg5[%dma_start3A_82, %dma_start3A_83] : memref<40x128xi32, #tpu.memory_space<vmem>> -> memref<1x128xi32, #tpu.memory_space<vmem>>
    %dma_start3A_85 = tpu.memref_squeeze %dma_start3A_84 : memref<1x128xi32, #tpu.memory_space<vmem>> -> memref<128xi32, #tpu.memory_space<vmem>>
    %dma_start3A_86 = arith.constant 0 : i32
    %dma_start3A_87 = arith.constant 0 : i32
    %dma_start3A_88 = tpu.memref_slice %arg3[%dma_start3A_86, %dma_start3A_87] : memref<80000x128xf32, #tpu.memory_space<hbm>> -> memref<80000x128xf32, #tpu.memory_space<hbm>>
    tpu.enqueue_indirect_dma source(%dma_start3A_88 : memref<80000x128xf32, #tpu.memory_space<hbm>>) target(%arg8 : memref<128x128xf32, #tpu.memory_space<vmem>>) offsets(%dma_start3A_85 : memref<128xi32, #tpu.memory_space<vmem>>) semaphore(%arg11 : memref<!tpu.dma_semaphore, #tpu.memory_space<semaphore_mem>>)
    %scan3A_89 = arith.constant 0 : i32
    %scan3A_90 = arith.constant 0 : i32
    %scan3A_91 = arith.constant 20 : i32
    %scan3A_92 = arith.addi %scan3A_90, %scan3A_91 : i32
    %scan3A_93 = arith.constant 1 : i32
    scf.for %scan3A_96 = %scan3A_90 to %scan3A_92 step %scan3A_93  : i32 {
      %mul3A_97 = arith.constant 2 : i32
      %mul3A_98 = arith.muli %scan3A_96, %mul3A_97 : i32
      %dma_wait3A_99 = arith.constant 0 : i32
      %dma_wait3A_100 = arith.constant 0 : i32
      %dma_wait3A_101 = tpu.memref_slice %arg5[%dma_wait3A_99, %dma_wait3A_100] : memref<40x128xi32, #tpu.memory_space<vmem>> -> memref<1x128xi32, #tpu.memory_space<vmem>>
      %dma_wait3A_102 = tpu.memref_squeeze %dma_wait3A_101 : memref<1x128xi32, #tpu.memory_space<vmem>> -> memref<128xi32, #tpu.memory_space<vmem>>
      %dma_wait3A_103 = arith.constant 0 : i32
      %dma_wait3A_104 = arith.constant 0 : i32
      %dma_wait3A_105 = tpu.memref_slice %arg3[%dma_wait3A_103, %dma_wait3A_104] : memref<80000x128xf32, #tpu.memory_space<hbm>> -> memref<80000x128xf32, #tpu.memory_space<hbm>>
      tpu.wait_indirect_dma semaphore(%arg10 : memref<!tpu.dma_semaphore, #tpu.memory_space<semaphore_mem>>) src(%dma_wait3A_105 : memref<80000x128xf32, #tpu.memory_space<hbm>>) dst(%arg7 : memref<128x128xf32, #tpu.memory_space<vmem>>)
      "tpu.region"() ({
        %run_scoped3A_126 = tpu.sem_alloc : memref<!tpu.dma_semaphore, #tpu.memory_space<semaphore_mem>>
        %dma_start3A_127 = arith.constant 0 : i32
        %dma_start3A_128 = tpu.memref_slice %arg6[%mul3A_98, %dma_start3A_127] : memref<40x128xi32, #tpu.memory_space<vmem>> -> memref<1x128xi32, #tpu.memory_space<vmem>>
        %dma_start3A_129 = tpu.memref_squeeze %dma_start3A_128 : memref<1x128xi32, #tpu.memory_space<vmem>> -> memref<128xi32, #tpu.memory_space<vmem>>
        %dma_start3A_130 = arith.constant 0 : i32
        %dma_start3A_131 = arith.constant 0 : i32
        %dma_start3A_132 = tpu.memref_slice %arg9[%dma_start3A_130, %dma_start3A_131] : memref<10016x128xf32, #tpu.memory_space<vmem_shared>> -> memref<10016x128xf32, #tpu.memory_space<vmem_shared>>
        tpu.enqueue_indirect_dma source(%arg7 : memref<128x128xf32, #tpu.memory_space<vmem>>) target(%dma_start3A_132 : memref<10016x128xf32, #tpu.memory_space<vmem_shared>>) offsets(%dma_start3A_129 : memref<128xi32, #tpu.memory_space<vmem>>) semaphore(%run_scoped3A_126 : memref<!tpu.dma_semaphore, #tpu.memory_space<semaphore_mem>>) {add = true}
        %dma_wait3A_133 = arith.constant 0 : i32
        %dma_wait3A_134 = tpu.memref_slice %arg6[%mul3A_98, %dma_wait3A_133] : memref<40x128xi32, #tpu.memory_space<vmem>> -> memref<1x128xi32, #tpu.memory_space<vmem>>
        %dma_wait3A_135 = tpu.memref_squeeze %dma_wait3A_134 : memref<1x128xi32, #tpu.memory_space<vmem>> -> memref<128xi32, #tpu.memory_space<vmem>>
        %dma_wait3A_136 = arith.constant 0 : i32
        %dma_wait3A_137 = arith.constant 0 : i32
        %dma_wait3A_138 = tpu.memref_slice %arg9[%dma_wait3A_136, %dma_wait3A_137] : memref<10016x128xf32, #tpu.memory_space<vmem_shared>> -> memref<10016x128xf32, #tpu.memory_space<vmem_shared>>
        tpu.wait_indirect_dma semaphore(%run_scoped3A_126 : memref<!tpu.dma_semaphore, #tpu.memory_space<semaphore_mem>>) src(%arg7 : memref<128x128xf32, #tpu.memory_space<vmem>>) dst(%dma_wait3A_138 : memref<10016x128xf32, #tpu.memory_space<vmem_shared>>)
        tpu.yield
      }) : () -> ()
      %add3A_106 = arith.constant 2 : i32
      %add3A_107 = arith.addi %mul3A_98, %add3A_106 : i32
      %lt3A = arith.constant 40 : i32
      %lt3A_108 = arith.cmpi slt, %add3A_107, %lt3A : i32
      %convert_element_type3A = arith.extui %lt3A_108 : i1 to i32
      %cond3A = arith.constant 0 : i32
      %cond3A_109 = arith.cmpi ne, %convert_element_type3A, %cond3A : i32
      scf.if %cond3A_109 {
        %add3A_126 = arith.constant 2 : i32
        %add3A_127 = arith.addi %mul3A_98, %add3A_126 : i32
        %dma_start3A_128 = arith.constant 0 : i32
        %dma_start3A_129 = tpu.memref_slice %arg5[%add3A_127, %dma_start3A_128] : memref<40x128xi32, #tpu.memory_space<vmem>> -> memref<1x128xi32, #tpu.memory_space<vmem>>
        %dma_start3A_130 = tpu.memref_squeeze %dma_start3A_129 : memref<1x128xi32, #tpu.memory_space<vmem>> -> memref<128xi32, #tpu.memory_space<vmem>>
        %dma_start3A_131 = arith.constant 0 : i32
        %dma_start3A_132 = arith.constant 0 : i32
        %dma_start3A_133 = tpu.memref_slice %arg3[%dma_start3A_131, %dma_start3A_132] : memref<80000x128xf32, #tpu.memory_space<hbm>> -> memref<80000x128xf32, #tpu.memory_space<hbm>>
        tpu.enqueue_indirect_dma source(%dma_start3A_133 : memref<80000x128xf32, #tpu.memory_space<hbm>>) target(%arg7 : memref<128x128xf32, #tpu.memory_space<vmem>>) offsets(%dma_start3A_130 : memref<128xi32, #tpu.memory_space<vmem>>) semaphore(%arg10 : memref<!tpu.dma_semaphore, #tpu.memory_space<semaphore_mem>>)
      } else {
      }
      %dma_wait3A_110 = arith.constant 0 : i32
      %dma_wait3A_111 = arith.constant 0 : i32
      %dma_wait3A_112 = tpu.memref_slice %arg5[%dma_wait3A_110, %dma_wait3A_111] : memref<40x128xi32, #tpu.memory_space<vmem>> -> memref<1x128xi32, #tpu.memory_space<vmem>>
      %dma_wait3A_113 = tpu.memref_squeeze %dma_wait3A_112 : memref<1x128xi32, #tpu.memory_space<vmem>> -> memref<128xi32, #tpu.memory_space<vmem>>
      %dma_wait3A_114 = arith.constant 0 : i32
      %dma_wait3A_115 = arith.constant 0 : i32
      %dma_wait3A_116 = tpu.memref_slice %arg3[%dma_wait3A_114, %dma_wait3A_115] : memref<80000x128xf32, #tpu.memory_space<hbm>> -> memref<80000x128xf32, #tpu.memory_space<hbm>>
      tpu.wait_indirect_dma semaphore(%arg11 : memref<!tpu.dma_semaphore, #tpu.memory_space<semaphore_mem>>) src(%dma_wait3A_116 : memref<80000x128xf32, #tpu.memory_space<hbm>>) dst(%arg8 : memref<128x128xf32, #tpu.memory_space<vmem>>)
      %add3A_117 = arith.constant 1 : i32
      %add3A_118 = arith.addi %mul3A_98, %add3A_117 : i32
      "tpu.region"() ({
        %run_scoped3A_126 = tpu.sem_alloc : memref<!tpu.dma_semaphore, #tpu.memory_space<semaphore_mem>>
        %dma_start3A_127 = arith.constant 0 : i32
        %dma_start3A_128 = tpu.memref_slice %arg6[%add3A_118, %dma_start3A_127] : memref<40x128xi32, #tpu.memory_space<vmem>> -> memref<1x128xi32, #tpu.memory_space<vmem>>
        %dma_start3A_129 = tpu.memref_squeeze %dma_start3A_128 : memref<1x128xi32, #tpu.memory_space<vmem>> -> memref<128xi32, #tpu.memory_space<vmem>>
        %dma_start3A_130 = arith.constant 0 : i32
        %dma_start3A_131 = arith.constant 0 : i32
        %dma_start3A_132 = tpu.memref_slice %arg9[%dma_start3A_130, %dma_start3A_131] : memref<10016x128xf32, #tpu.memory_space<vmem_shared>> -> memref<10016x128xf32, #tpu.memory_space<vmem_shared>>
        tpu.enqueue_indirect_dma source(%arg8 : memref<128x128xf32, #tpu.memory_space<vmem>>) target(%dma_start3A_132 : memref<10016x128xf32, #tpu.memory_space<vmem_shared>>) offsets(%dma_start3A_129 : memref<128xi32, #tpu.memory_space<vmem>>) semaphore(%run_scoped3A_126 : memref<!tpu.dma_semaphore, #tpu.memory_space<semaphore_mem>>) {add = true}
        %dma_wait3A_133 = arith.constant 0 : i32
        %dma_wait3A_134 = tpu.memref_slice %arg6[%add3A_118, %dma_wait3A_133] : memref<40x128xi32, #tpu.memory_space<vmem>> -> memref<1x128xi32, #tpu.memory_space<vmem>>
        %dma_wait3A_135 = tpu.memref_squeeze %dma_wait3A_134 : memref<1x128xi32, #tpu.memory_space<vmem>> -> memref<128xi32, #tpu.memory_space<vmem>>
        %dma_wait3A_136 = arith.constant 0 : i32
        %dma_wait3A_137 = arith.constant 0 : i32
        %dma_wait3A_138 = tpu.memref_slice %arg9[%dma_wait3A_136, %dma_wait3A_137] : memref<10016x128xf32, #tpu.memory_space<vmem_shared>> -> memref<10016x128xf32, #tpu.memory_space<vmem_shared>>
        tpu.wait_indirect_dma semaphore(%run_scoped3A_126 : memref<!tpu.dma_semaphore, #tpu.memory_space<semaphore_mem>>) src(%arg8 : memref<128x128xf32, #tpu.memory_space<vmem>>) dst(%dma_wait3A_138 : memref<10016x128xf32, #tpu.memory_space<vmem_shared>>)
        tpu.yield
      }) : () -> ()
      %add3A_119 = arith.constant 3 : i32
      %add3A_120 = arith.addi %mul3A_98, %add3A_119 : i32
      %lt3A_121 = arith.constant 40 : i32
      %lt3A_122 = arith.cmpi slt, %add3A_120, %lt3A_121 : i32
      %convert_element_type3A_123 = arith.extui %lt3A_122 : i1 to i32
      %cond3A_124 = arith.constant 0 : i32
      %cond3A_125 = arith.cmpi ne, %convert_element_type3A_123, %cond3A_124 : i32
      scf.if %cond3A_125 {
        %add3A_126 = arith.constant 3 : i32
        %add3A_127 = arith.addi %mul3A_98, %add3A_126 : i32
        %dma_start3A_128 = arith.constant 0 : i32
        %dma_start3A_129 = tpu.memref_slice %arg5[%add3A_127, %dma_start3A_128] : memref<40x128xi32, #tpu.memory_space<vmem>> -> memref<1x128xi32, #tpu.memory_space<vmem>>
        %dma_start3A_130 = tpu.memref_squeeze %dma_start3A_129 : memref<1x128xi32, #tpu.memory_space<vmem>> -> memref<128xi32, #tpu.memory_space<vmem>>
        %dma_start3A_131 = arith.constant 0 : i32
        %dma_start3A_132 = arith.constant 0 : i32
        %dma_start3A_133 = tpu.memref_slice %arg3[%dma_start3A_131, %dma_start3A_132] : memref<80000x128xf32, #tpu.memory_space<hbm>> -> memref<80000x128xf32, #tpu.memory_space<hbm>>
        tpu.enqueue_indirect_dma source(%dma_start3A_133 : memref<80000x128xf32, #tpu.memory_space<hbm>>) target(%arg8 : memref<128x128xf32, #tpu.memory_space<vmem>>) offsets(%dma_start3A_130 : memref<128xi32, #tpu.memory_space<vmem>>) semaphore(%arg11 : memref<!tpu.dma_semaphore, #tpu.memory_space<semaphore_mem>>)
      } else {
      }
    }
    %scan3A_94 = arith.constant 20 : i32
    %barrier3A_95 = arith.constant 0 : index
    tpu.barrier barrier_id(%barrier3A_95)
    "tpu.region"() ({
      %run_scoped3A_96 = tpu.sem_alloc : memref<!tpu.dma_semaphore, #tpu.memory_space<semaphore_mem>>
      %dma_start3A_97 = arith.constant 0 : i32
      %dma_start3A_98 = tpu.memref_slice %arg4[%arg0, %multiple_of3A, %dma_start3A_97] : memref<2x10016x128xf32, #tpu.memory_space<hbm>> -> memref<1x640x128xf32, #tpu.memory_space<hbm>>
      %dma_start3A_99 = tpu.memref_squeeze %dma_start3A_98 : memref<1x640x128xf32, #tpu.memory_space<hbm>> -> memref<640x128xf32, #tpu.memory_space<hbm>>
      %dma_start3A_100 = arith.constant 0 : i32
      %dma_start3A_101 = tpu.memref_slice %arg9[%multiple_of3A, %dma_start3A_100] : memref<10016x128xf32, #tpu.memory_space<vmem_shared>> -> memref<640x128xf32, #tpu.memory_space<vmem_shared>>
      tpu.enqueue_dma source(%dma_start3A_101 : memref<640x128xf32, #tpu.memory_space<vmem_shared>>) target(%dma_start3A_99 : memref<640x128xf32, #tpu.memory_space<hbm>>) target_semaphore(%run_scoped3A_96 : memref<!tpu.dma_semaphore, #tpu.memory_space<semaphore_mem>>)
      %dma_wait3A_102 = arith.constant 0 : i32
      %dma_wait3A_103 = tpu.memref_slice %arg4[%arg0, %multiple_of3A, %dma_wait3A_102] : memref<2x10016x128xf32, #tpu.memory_space<hbm>> -> memref<1x640x128xf32, #tpu.memory_space<hbm>>
      %dma_wait3A_104 = tpu.memref_squeeze %dma_wait3A_103 : memref<1x640x128xf32, #tpu.memory_space<hbm>> -> memref<640x128xf32, #tpu.memory_space<hbm>>
      %dma_wait3A_105 = arith.constant 0 : i32
      %dma_wait3A_106 = tpu.memref_slice %arg9[%multiple_of3A, %dma_wait3A_105] : memref<10016x128xf32, #tpu.memory_space<vmem_shared>> -> memref<640x128xf32, #tpu.memory_space<vmem_shared>>
      tpu.wait_dma2 semaphore(%run_scoped3A_96 : memref<!tpu.dma_semaphore, #tpu.memory_space<semaphore_mem>>) src(%dma_wait3A_106 : memref<640x128xf32, #tpu.memory_space<vmem_shared>>) dst(%dma_wait3A_104 : memref<640x128xf32, #tpu.memory_space<hbm>>)
      tpu.yield
    }) : () -> ()
    return
  }
}

module attributes {stable_mosaic.version = 14 : i64} {
  func.func @_tc_transform_body(%arg0: i32, %arg1: memref<400x128xf32, #tpu.memory_space<vmem>>, %arg2: memref<8x128x128xf32, #tpu.memory_space<vmem>>, %arg3: memref<1x100x128xi32, #tpu.memory_space<vmem>>, %arg4: memref<1x100x128xi32, #tpu.memory_space<vmem>>, %arg5: memref<400x8x128xf32, #tpu.memory_space<vmem>>, %arg6: memref<1x100x128xi32, #tpu.memory_space<vmem>>) attributes {dimension_semantics = [#tpu.dimension_semantics<arbitrary>], iteration_bounds = array<i64: 25>, scalar_prefetch = 0 : i64, scratch_operands = 0 : i64, tpu.core_type = #tpu.core_type<tc>, window_params = [{transform_indices = @transform_0, window_bounds = array<i64: 400, 128>}, {pipeline_mode = #tpu.pipeline_mode<synchronous>, transform_indices = @transform_1, window_bounds = array<i64: 8, 128, 128>}, {transform_indices = @transform_2, window_bounds = array<i64: 1, 100, 128>}, {transform_indices = @transform_3, window_bounds = array<i64: 1, 100, 128>}, {transform_indices = @transform_4, window_bounds = array<i64: 400, 8, 128>}, {transform_indices = @transform_5, window_bounds = array<i64: 1, 100, 128>}]} {
    %get3A = arith.constant 0 : index
    %get3A_0 = arith.constant 0 : index
    %get3A_1 = vector.load %arg1[%get3A, %get3A_0] : memref<400x128xf32, #tpu.memory_space<vmem>>, vector<400x128xf32>
    %get3A_2 = arith.constant 0 : index
    %get3A_3 = arith.constant 0 : index
    %get3A_4 = arith.constant 0 : index
    %get3A_5 = vector.load %arg2[%get3A_2, %get3A_3, %get3A_4] : memref<8x128x128xf32, #tpu.memory_space<vmem>>, vector<1x128x128xf32>
    %get3A_6 = vector.shape_cast %get3A_5 : vector<1x128x128xf32> to vector<128x128xf32>
    %dot_general3A = arith.constant dense<0.000000e+00> : vector<400x128xf32>
    %dot_general3A_7 = tpu.matmul %get3A_1, %get3A_6, %dot_general3A {dimension_numbers = #tpu.dot_dimension_numbers<[1], [0], [0], [1], [0, 0, 1, 1], [], []>, transpose_lhs_hint = false} : vector<400x128xf32>, vector<128x128xf32>, vector<400x128xf32> -> vector<400x128xf32>
    %swap3A = arith.constant 0 : index
    %swap3A_8 = arith.constant 0 : index
    %swap3A_9 = arith.constant 0 : index
    %swap3A_10 = vector.load %arg5[%swap3A, %swap3A_8, %swap3A_9] : memref<400x8x128xf32, #tpu.memory_space<vmem>>, vector<400x1x128xf32>
    %swap3A_11 = vector.shape_cast %swap3A_10 : vector<400x1x128xf32> to vector<400x128xf32>
    %swap3A_12 = vector.shape_cast %dot_general3A_7 : vector<400x128xf32> to vector<400x1x128xf32>
    tpu.vector_store %arg5[%swap3A, %swap3A_8, %swap3A_9], %swap3A_12 {strides = array<i32>} : memref<400x8x128xf32, #tpu.memory_space<vmem>>, vector<400x1x128xf32>,
    %get3A_13 = arith.constant 1 : index
    %get3A_14 = arith.constant 0 : index
    %get3A_15 = arith.constant 0 : index
    %get3A_16 = vector.load %arg2[%get3A_13, %get3A_14, %get3A_15] : memref<8x128x128xf32, #tpu.memory_space<vmem>>, vector<1x128x128xf32>
    %get3A_17 = vector.shape_cast %get3A_16 : vector<1x128x128xf32> to vector<128x128xf32>
    %dot_general3A_18 = arith.constant dense<0.000000e+00> : vector<400x128xf32>
    %dot_general3A_19 = tpu.matmul %get3A_1, %get3A_17, %dot_general3A_18 {dimension_numbers = #tpu.dot_dimension_numbers<[1], [0], [0], [1], [0, 0, 1, 1], [], []>, transpose_lhs_hint = false} : vector<400x128xf32>, vector<128x128xf32>, vector<400x128xf32> -> vector<400x128xf32>
    %swap3A_20 = arith.constant 0 : index
    %swap3A_21 = arith.constant 1 : index
    %swap3A_22 = arith.constant 0 : index
    %swap3A_23 = vector.load %arg5[%swap3A_20, %swap3A_21, %swap3A_22] : memref<400x8x128xf32, #tpu.memory_space<vmem>>, vector<400x1x128xf32>
    %swap3A_24 = vector.shape_cast %swap3A_23 : vector<400x1x128xf32> to vector<400x128xf32>
    %swap3A_25 = vector.shape_cast %dot_general3A_19 : vector<400x128xf32> to vector<400x1x128xf32>
    tpu.vector_store %arg5[%swap3A_20, %swap3A_21, %swap3A_22], %swap3A_25 {strides = array<i32>} : memref<400x8x128xf32, #tpu.memory_space<vmem>>, vector<400x1x128xf32>,
    %get3A_26 = arith.constant 2 : index
    %get3A_27 = arith.constant 0 : index
    %get3A_28 = arith.constant 0 : index
    %get3A_29 = vector.load %arg2[%get3A_26, %get3A_27, %get3A_28] : memref<8x128x128xf32, #tpu.memory_space<vmem>>, vector<1x128x128xf32>
    %get3A_30 = vector.shape_cast %get3A_29 : vector<1x128x128xf32> to vector<128x128xf32>
    %dot_general3A_31 = arith.constant dense<0.000000e+00> : vector<400x128xf32>
    %dot_general3A_32 = tpu.matmul %get3A_1, %get3A_30, %dot_general3A_31 {dimension_numbers = #tpu.dot_dimension_numbers<[1], [0], [0], [1], [0, 0, 1, 1], [], []>, transpose_lhs_hint = false} : vector<400x128xf32>, vector<128x128xf32>, vector<400x128xf32> -> vector<400x128xf32>
    %swap3A_33 = arith.constant 0 : index
    %swap3A_34 = arith.constant 2 : index
    %swap3A_35 = arith.constant 0 : index
    %swap3A_36 = vector.load %arg5[%swap3A_33, %swap3A_34, %swap3A_35] : memref<400x8x128xf32, #tpu.memory_space<vmem>>, vector<400x1x128xf32>
    %swap3A_37 = vector.shape_cast %swap3A_36 : vector<400x1x128xf32> to vector<400x128xf32>
    %swap3A_38 = vector.shape_cast %dot_general3A_32 : vector<400x128xf32> to vector<400x1x128xf32>
    tpu.vector_store %arg5[%swap3A_33, %swap3A_34, %swap3A_35], %swap3A_38 {strides = array<i32>} : memref<400x8x128xf32, #tpu.memory_space<vmem>>, vector<400x1x128xf32>,
    %get3A_39 = arith.constant 3 : index
    %get3A_40 = arith.constant 0 : index
    %get3A_41 = arith.constant 0 : index
    %get3A_42 = vector.load %arg2[%get3A_39, %get3A_40, %get3A_41] : memref<8x128x128xf32, #tpu.memory_space<vmem>>, vector<1x128x128xf32>
    %get3A_43 = vector.shape_cast %get3A_42 : vector<1x128x128xf32> to vector<128x128xf32>
    %dot_general3A_44 = arith.constant dense<0.000000e+00> : vector<400x128xf32>
    %dot_general3A_45 = tpu.matmul %get3A_1, %get3A_43, %dot_general3A_44 {dimension_numbers = #tpu.dot_dimension_numbers<[1], [0], [0], [1], [0, 0, 1, 1], [], []>, transpose_lhs_hint = false} : vector<400x128xf32>, vector<128x128xf32>, vector<400x128xf32> -> vector<400x128xf32>
    %swap3A_46 = arith.constant 0 : index
    %swap3A_47 = arith.constant 3 : index
    %swap3A_48 = arith.constant 0 : index
    %swap3A_49 = vector.load %arg5[%swap3A_46, %swap3A_47, %swap3A_48] : memref<400x8x128xf32, #tpu.memory_space<vmem>>, vector<400x1x128xf32>
    %swap3A_50 = vector.shape_cast %swap3A_49 : vector<400x1x128xf32> to vector<400x128xf32>
    %swap3A_51 = vector.shape_cast %dot_general3A_45 : vector<400x128xf32> to vector<400x1x128xf32>
    tpu.vector_store %arg5[%swap3A_46, %swap3A_47, %swap3A_48], %swap3A_51 {strides = array<i32>} : memref<400x8x128xf32, #tpu.memory_space<vmem>>, vector<400x1x128xf32>,
    %get3A_52 = arith.constant 4 : index
    %get3A_53 = arith.constant 0 : index
    %get3A_54 = arith.constant 0 : index
    %get3A_55 = vector.load %arg2[%get3A_52, %get3A_53, %get3A_54] : memref<8x128x128xf32, #tpu.memory_space<vmem>>, vector<1x128x128xf32>
    %get3A_56 = vector.shape_cast %get3A_55 : vector<1x128x128xf32> to vector<128x128xf32>
    %dot_general3A_57 = arith.constant dense<0.000000e+00> : vector<400x128xf32>
    %dot_general3A_58 = tpu.matmul %get3A_1, %get3A_56, %dot_general3A_57 {dimension_numbers = #tpu.dot_dimension_numbers<[1], [0], [0], [1], [0, 0, 1, 1], [], []>, transpose_lhs_hint = false} : vector<400x128xf32>, vector<128x128xf32>, vector<400x128xf32> -> vector<400x128xf32>
    %swap3A_59 = arith.constant 0 : index
    %swap3A_60 = arith.constant 4 : index
    %swap3A_61 = arith.constant 0 : index
    %swap3A_62 = vector.load %arg5[%swap3A_59, %swap3A_60, %swap3A_61] : memref<400x8x128xf32, #tpu.memory_space<vmem>>, vector<400x1x128xf32>
    %swap3A_63 = vector.shape_cast %swap3A_62 : vector<400x1x128xf32> to vector<400x128xf32>
    %swap3A_64 = vector.shape_cast %dot_general3A_58 : vector<400x128xf32> to vector<400x1x128xf32>
    tpu.vector_store %arg5[%swap3A_59, %swap3A_60, %swap3A_61], %swap3A_64 {strides = array<i32>} : memref<400x8x128xf32, #tpu.memory_space<vmem>>, vector<400x1x128xf32>,
    %get3A_65 = arith.constant 5 : index
    %get3A_66 = arith.constant 0 : index
    %get3A_67 = arith.constant 0 : index
    %get3A_68 = vector.load %arg2[%get3A_65, %get3A_66, %get3A_67] : memref<8x128x128xf32, #tpu.memory_space<vmem>>, vector<1x128x128xf32>
    %get3A_69 = vector.shape_cast %get3A_68 : vector<1x128x128xf32> to vector<128x128xf32>
    %dot_general3A_70 = arith.constant dense<0.000000e+00> : vector<400x128xf32>
    %dot_general3A_71 = tpu.matmul %get3A_1, %get3A_69, %dot_general3A_70 {dimension_numbers = #tpu.dot_dimension_numbers<[1], [0], [0], [1], [0, 0, 1, 1], [], []>, transpose_lhs_hint = false} : vector<400x128xf32>, vector<128x128xf32>, vector<400x128xf32> -> vector<400x128xf32>
    %swap3A_72 = arith.constant 0 : index
    %swap3A_73 = arith.constant 5 : index
    %swap3A_74 = arith.constant 0 : index
    %swap3A_75 = vector.load %arg5[%swap3A_72, %swap3A_73, %swap3A_74] : memref<400x8x128xf32, #tpu.memory_space<vmem>>, vector<400x1x128xf32>
    %swap3A_76 = vector.shape_cast %swap3A_75 : vector<400x1x128xf32> to vector<400x128xf32>
    %swap3A_77 = vector.shape_cast %dot_general3A_71 : vector<400x128xf32> to vector<400x1x128xf32>
    tpu.vector_store %arg5[%swap3A_72, %swap3A_73, %swap3A_74], %swap3A_77 {strides = array<i32>} : memref<400x8x128xf32, #tpu.memory_space<vmem>>, vector<400x1x128xf32>,
    %get3A_78 = arith.constant 6 : index
    %get3A_79 = arith.constant 0 : index
    %get3A_80 = arith.constant 0 : index
    %get3A_81 = vector.load %arg2[%get3A_78, %get3A_79, %get3A_80] : memref<8x128x128xf32, #tpu.memory_space<vmem>>, vector<1x128x128xf32>
    %get3A_82 = vector.shape_cast %get3A_81 : vector<1x128x128xf32> to vector<128x128xf32>
    %dot_general3A_83 = arith.constant dense<0.000000e+00> : vector<400x128xf32>
    %dot_general3A_84 = tpu.matmul %get3A_1, %get3A_82, %dot_general3A_83 {dimension_numbers = #tpu.dot_dimension_numbers<[1], [0], [0], [1], [0, 0, 1, 1], [], []>, transpose_lhs_hint = false} : vector<400x128xf32>, vector<128x128xf32>, vector<400x128xf32> -> vector<400x128xf32>
    %swap3A_85 = arith.constant 0 : index
    %swap3A_86 = arith.constant 6 : index
    %swap3A_87 = arith.constant 0 : index
    %swap3A_88 = vector.load %arg5[%swap3A_85, %swap3A_86, %swap3A_87] : memref<400x8x128xf32, #tpu.memory_space<vmem>>, vector<400x1x128xf32>
    %swap3A_89 = vector.shape_cast %swap3A_88 : vector<400x1x128xf32> to vector<400x128xf32>
    %swap3A_90 = vector.shape_cast %dot_general3A_84 : vector<400x128xf32> to vector<400x1x128xf32>
    tpu.vector_store %arg5[%swap3A_85, %swap3A_86, %swap3A_87], %swap3A_90 {strides = array<i32>} : memref<400x8x128xf32, #tpu.memory_space<vmem>>, vector<400x1x128xf32>,
    %get3A_91 = arith.constant 7 : index
    %get3A_92 = arith.constant 0 : index
    %get3A_93 = arith.constant 0 : index
    %get3A_94 = vector.load %arg2[%get3A_91, %get3A_92, %get3A_93] : memref<8x128x128xf32, #tpu.memory_space<vmem>>, vector<1x128x128xf32>
    %get3A_95 = vector.shape_cast %get3A_94 : vector<1x128x128xf32> to vector<128x128xf32>
    %dot_general3A_96 = arith.constant dense<0.000000e+00> : vector<400x128xf32>
    %dot_general3A_97 = tpu.matmul %get3A_1, %get3A_95, %dot_general3A_96 {dimension_numbers = #tpu.dot_dimension_numbers<[1], [0], [0], [1], [0, 0, 1, 1], [], []>, transpose_lhs_hint = false} : vector<400x128xf32>, vector<128x128xf32>, vector<400x128xf32> -> vector<400x128xf32>
    %swap3A_98 = arith.constant 0 : index
    %swap3A_99 = arith.constant 7 : index
    %swap3A_100 = arith.constant 0 : index
    %swap3A_101 = vector.load %arg5[%swap3A_98, %swap3A_99, %swap3A_100] : memref<400x8x128xf32, #tpu.memory_space<vmem>>, vector<400x1x128xf32>
    %swap3A_102 = vector.shape_cast %swap3A_101 : vector<400x1x128xf32> to vector<400x128xf32>
    %swap3A_103 = vector.shape_cast %dot_general3A_97 : vector<400x128xf32> to vector<400x1x128xf32>
    tpu.vector_store %arg5[%swap3A_98, %swap3A_99, %swap3A_100], %swap3A_103 {strides = array<i32>} : memref<400x8x128xf32, #tpu.memory_space<vmem>>, vector<400x1x128xf32>,
    %get3A_104 = arith.constant 0 : index
    %get3A_105 = arith.constant 0 : index
    %get3A_106 = arith.constant 0 : index
    %get3A_107 = vector.load %arg3[%get3A_104, %get3A_105, %get3A_106] : memref<1x100x128xi32, #tpu.memory_space<vmem>>, vector<1x100x128xi32>
    %mul3A = arith.constant 8 : i32
    %mul3A_108 = vector.broadcast %mul3A : i32 to vector<1x100x128xi32>
    %mul3A_109 = arith.muli %get3A_107, %mul3A_108 : vector<1x100x128xi32>
    %get3A_110 = arith.constant 0 : index
    %get3A_111 = arith.constant 0 : index
    %get3A_112 = arith.constant 0 : index
    %get3A_113 = vector.load %arg4[%get3A_110, %get3A_111, %get3A_112] : memref<1x100x128xi32, #tpu.memory_space<vmem>>, vector<1x100x128xi32>
    %add3A = arith.addi %mul3A_109, %get3A_113 : vector<1x100x128xi32>
    %swap3A_114 = arith.constant 0 : index
    %swap3A_115 = arith.constant 0 : index
    %swap3A_116 = arith.constant 0 : index
    %swap3A_117 = vector.load %arg6[%swap3A_114, %swap3A_115, %swap3A_116] : memref<1x100x128xi32, #tpu.memory_space<vmem>>, vector<1x100x128xi32>
    tpu.vector_store %arg6[%swap3A_114, %swap3A_115, %swap3A_116], %add3A {strides = array<i32>} : memref<1x100x128xi32, #tpu.memory_space<vmem>>, vector<1x100x128xi32>,
    return
  }
  func.func @transform_0(%arg0: i32) -> (i32, i32) {
    %c0_i32 = arith.constant 0 : i32
    %c0_i32_0 = arith.constant 0 : i32
    return %arg0, %c0_i32 : i32, i32
  }
  func.func @transform_1(%arg0: i32) -> (i32, i32, i32) {
    %c0_i32 = arith.constant 0 : i32
    %c0_i32_0 = arith.constant 0 : i32
    %c0_i32_1 = arith.constant 0 : i32
    %c0_i32_2 = arith.constant 0 : i32
    return %c0_i32, %c0_i32_0, %c0_i32_1 : i32, i32, i32
  }
  func.func @transform_2(%arg0: i32) -> (i32, i32, i32) {
    %c0_i32 = arith.constant 0 : i32
    %c0_i32_0 = arith.constant 0 : i32
    %c0_i32_1 = arith.constant 0 : i32
    return %arg0, %c0_i32, %c0_i32_0 : i32, i32, i32
  }
  func.func @transform_3(%arg0: i32) -> (i32, i32, i32) {
    %c0_i32 = arith.constant 0 : i32
    %c0_i32_0 = arith.constant 0 : i32
    %c0_i32_1 = arith.constant 0 : i32
    return %arg0, %c0_i32, %c0_i32_0 : i32, i32, i32
  }
  func.func @transform_4(%arg0: i32) -> (i32, i32, i32) {
    %c0_i32 = arith.constant 0 : i32
    %c0_i32_0 = arith.constant 0 : i32
    %c0_i32_1 = arith.constant 0 : i32
    return %arg0, %c0_i32, %c0_i32_0 : i32, i32, i32
  }
  func.func @transform_5(%arg0: i32) -> (i32, i32, i32) {
    %c0_i32 = arith.constant 0 : i32
    %c0_i32_0 = arith.constant 0 : i32
    %c0_i32_1 = arith.constant 0 : i32
    return %arg0, %c0_i32, %c0_i32_0 : i32, i32, i32
  }
}

module attributes {stable_mosaic.version = 14 : i64} {
  func.func @_tc_final_body(%arg0: i32, %arg1: memref<200x128xf32, #tpu.memory_space<vmem>>, %arg2: memref<128x128xf32, #tpu.memory_space<vmem>>, %arg3: memref<1x128xf32, #tpu.memory_space<vmem>>, %arg4: memref<2x200x128xf32, #tpu.memory_space<vmem>>, %arg5: memref<200x128xf32, #tpu.memory_space<vmem>>) attributes {dimension_semantics = [#tpu.dimension_semantics<arbitrary>], iteration_bounds = array<i64: 50>, scalar_prefetch = 0 : i64, scratch_operands = 0 : i64, tpu.core_type = #tpu.core_type<tc>, window_params = [{transform_indices = @transform_0, window_bounds = array<i64: 200, 128>}, {pipeline_mode = #tpu.pipeline_mode<synchronous>, transform_indices = @transform_1, window_bounds = array<i64: 128, 128>}, {pipeline_mode = #tpu.pipeline_mode<synchronous>, transform_indices = @transform_2, window_bounds = array<i64: 1, 128>}, {transform_indices = @transform_3, window_bounds = array<i64: 2, 200, 128>}, {transform_indices = @transform_4, window_bounds = array<i64: 200, 128>}]} {
    %get3A = arith.constant 0 : index
    %get3A_0 = arith.constant 0 : index
    %get3A_1 = vector.load %arg1[%get3A, %get3A_0] : memref<200x128xf32, #tpu.memory_space<vmem>>, vector<200x128xf32>
    %get3A_2 = arith.constant 0 : index
    %get3A_3 = arith.constant 0 : index
    %get3A_4 = vector.load %arg2[%get3A_2, %get3A_3] : memref<128x128xf32, #tpu.memory_space<vmem>>, vector<128x128xf32>
    %dot_general3A = arith.constant dense<0.000000e+00> : vector<200x128xf32>
    %dot_general3A_5 = tpu.matmul %get3A_1, %get3A_4, %dot_general3A {dimension_numbers = #tpu.dot_dimension_numbers<[1], [0], [0], [1], [0, 0, 1, 1], [], []>, transpose_lhs_hint = false} : vector<200x128xf32>, vector<128x128xf32>, vector<200x128xf32> -> vector<200x128xf32>
    %get3A_6 = arith.constant 0 : index
    %get3A_7 = arith.constant 0 : index
    %get3A_8 = arith.constant 0 : index
    %get3A_9 = vector.load %arg4[%get3A_6, %get3A_7, %get3A_8] : memref<2x200x128xf32, #tpu.memory_space<vmem>>, vector<1x200x128xf32>
    %get3A_10 = vector.shape_cast %get3A_9 : vector<1x200x128xf32> to vector<200x128xf32>
    %add3A = arith.addf %dot_general3A_5, %get3A_10 : vector<200x128xf32>
    %get3A_11 = arith.constant 1 : index
    %get3A_12 = arith.constant 0 : index
    %get3A_13 = arith.constant 0 : index
    %get3A_14 = vector.load %arg4[%get3A_11, %get3A_12, %get3A_13] : memref<2x200x128xf32, #tpu.memory_space<vmem>>, vector<1x200x128xf32>
    %get3A_15 = vector.shape_cast %get3A_14 : vector<1x200x128xf32> to vector<200x128xf32>
    %add3A_16 = arith.addf %add3A, %get3A_15 : vector<200x128xf32>
    %get3A_17 = arith.constant 0 : index
    %get3A_18 = arith.constant 0 : index
    %get3A_19 = vector.load %arg3[%get3A_17, %get3A_18] : memref<1x128xf32, #tpu.memory_space<vmem>>, vector<1x128xf32>
    %add3A_20 = vector.broadcast %get3A_19 : vector<1x128xf32> to vector<200x128xf32>
    %add3A_21 = arith.addf %add3A_16, %add3A_20 : vector<200x128xf32>
    %max3A = arith.constant 0.000000e+00 : f32
    %max3A_22 = vector.broadcast %max3A : f32 to vector<200x128xf32>
    %max3A_23 = arith.maximumf %add3A_21, %max3A_22 : vector<200x128xf32>
    %swap3A = arith.constant 0 : index
    %swap3A_24 = arith.constant 0 : index
    %swap3A_25 = vector.load %arg5[%swap3A, %swap3A_24] : memref<200x128xf32, #tpu.memory_space<vmem>>, vector<200x128xf32>
    tpu.vector_store %arg5[%swap3A, %swap3A_24], %max3A_23 {strides = array<i32>} : memref<200x128xf32, #tpu.memory_space<vmem>>, vector<200x128xf32>,
    return
  }
  func.func @transform_0(%arg0: i32) -> (i32, i32) {
    %c0_i32 = arith.constant 0 : i32
    %c0_i32_0 = arith.constant 0 : i32
    return %arg0, %c0_i32 : i32, i32
  }
  func.func @transform_1(%arg0: i32) -> (i32, i32) {
    %c0_i32 = arith.constant 0 : i32
    %c0_i32_0 = arith.constant 0 : i32
    %c0_i32_1 = arith.constant 0 : i32
    return %c0_i32, %c0_i32_0 : i32, i32
  }
  func.func @transform_2(%arg0: i32) -> (i32, i32) {
    %c0_i32 = arith.constant 0 : i32
    %c0_i32_0 = arith.constant 0 : i32
    %c0_i32_1 = arith.constant 0 : i32
    return %c0_i32, %c0_i32_0 : i32, i32
  }
  func.func @transform_3(%arg0: i32) -> (i32, i32, i32) {
    %c0_i32 = arith.constant 0 : i32
    %c0_i32_0 = arith.constant 0 : i32
    %c0_i32_1 = arith.constant 0 : i32
    return %c0_i32, %arg0, %c0_i32_0 : i32, i32, i32
  }
  func.func @transform_4(%arg0: i32) -> (i32, i32) {
    %c0_i32 = arith.constant 0 : i32
    %c0_i32_0 = arith.constant 0 : i32
    return %arg0, %c0_i32 : i32, i32
  }
}

</mosaic_0001>

<sc_bundles>
// kernel: kernel.5.cloned.1.call-start
scs
__scs_entry_jumppad:
0x0: {  	(pc) =	sbr.rel $0x88, $3  }
0x1: {  	(tag) =	ssettag $0x0;
	lr =	simm.s32 $0x1  }
0x2: {  	[smem:$0x3F9B] =	sst lr;
	_ =	strace $0xD0000000  }
0x3: {  	_ = 	snop  }
0x4: {  	_ = 	snop  }
0x5: {  	_ = 	snop  }
0x6: {  	_ = 	snop  }
0x7: {  	_ = 	snop  }
__scs_overlays_trampoline_lowered:
0x8: {  	[smem:$0x3FAA] =	sst s0  }
0x9: {  	[smem:$0x3FAB] =	sst s1  }
0xa: {  	[smem:$0x3FAC] =	sst s2  }
0xb: {  	[smem:$0x3FAD] =	sst s3  }
0xc: {  	[smem:$0x3FAE] =	sst s4  }
0xd: {  	[smem:$0x3FAF] =	sst s5  }
0xe: {  	[smem:$0x3FB0] =	sst s6  }
0xf: {  	[smem:$0x3FB1] =	sst s7  }
0x10: {  	[smem:$0x3FB2] =	sst s8  }
0x11: {  	[smem:$0x3FB3] =	sst s9;
	s0 =	simm.s32 @!p0 $0x0  }
0x12: {  	s1 =	sld [smem:$0x3F99];
	s0 =	simm.s32 @p0 $0x1  }
0x13: {  	[smem:$0x3FB4] =	sst s0;
	s0 =	simm.s32 @!p1 $0x0  }
0x14: {  	s2 =	sld [smem:$0x3F98];
	s0 =	simm.s32 @p1 $0x1  }
0x15: {  	[smem:$0x3FB5] =	sst s0;
	s0 =	simm.s32 @!p2 $0x0  }
0x16: {  	s3 =	sld [smem:$0x3FDB];
	s0 =	simm.s32 @p2 $0x1  }
0x17: {  	s4 =	simm.s32 $0x1BF5;
	[smem:$0x3FB7] =	sst s0  }
0x18: {  	s0 =	sld [smem:$0x3F9A];
	_ =	swait.ge [sflag:s4], $0x0  }
0x19: {  	s7 =	sld [smem:$0x3F9B]  }
0x1a: {  	s8 =	sadd.s32 $0xFFFFE003, lr  }
0x1b: {  	s9 =	sadd.s32 $0xFFFFFEF7, lr;
	s5 =	simm.s32 $0xFFFFFFFF;
	p2 =	slt.u32 s8, $0xFFFFF086  }
0x1c: {  	p1 =	slt.u32 s9, $0xF7A;
	s5 =	simm.s32 @!p2 $0x0  }
0x1d: {  	s5 =	simm.s32 @p1 $0x1;
	p0 =	seq.s32 s7, s2  }
0x1e: {  	s7 =	smul.u32 @!p0 $0xF7A, s2;
	p2 =	seq.s32 @!p0 s5, $0x0  }
0x1f: {  	s9 =	smul.u32 $0xF7A, s1;
	s8 =	simm.s32 @!p0 $0x1BF5;
	p2 =	por !p2, p0  }
0x20: {  	[sflag:s8] =	ssyncset.s32 @!p0 $0xFFFFF086;
	s6 =	sadd.s32 @!p0 s3, s7;
	s7 =	simm.s32 @!p0 $0x108  }
0x21: {  	s3 =	sadd.s32 s3, s9;
	s6 =	sadd.s32 @!p0 $0x88, s6;
	s7 =	simm.s32 @p2 $0x1082  }
0x22: {  	[simem:s7], [sflag:s8] =	dma.local @!p0 [hbm:s6], $0xF7A  }
0x23: {  	s9 =	sor.u32 $0xD0000000, s2;
	s6 =	simm.s32 $0x108;
	_ =	swait.ge @!p0 [sflag:s8], $0x0  }
0x24: {  	s3 =	sadd.s32 $0x88, s3;
	s6 =	simm.s32 @!p1 $0x1082;
	[sflag:s4] =	ssyncset.s32 $0xFFFFF086  }
0x25: {  	[simem:s6], [sflag:s4] =	dma.local [hbm:s3], $0xF7A  }
0x26: {  	[smem:$0x3F9B] =	sst s1;
	(tag) =	ssettag s2;
	_ =	strace s9  }
0x27: {  	s1 =	sld [smem:$0x3FAB]  }
0x28: {  	s2 =	sld [smem:$0x3FAC]  }
0x29: {  	s4 =	sld [smem:$0x3FAE]  }
0x2a: {  	p0 =	seq.s32 s5, $0x0;
	s5 =	sld [smem:$0x3FAF]  }
0x2b: {  	s6 =	sld [smem:$0x3FB0]  }
0x2c: {  	s7 =	sld [smem:$0x3FB1]  }
0x2d: {  	s3 =	simm.s32 $0x108;
	s8 =	sld [smem:$0x3FB2]  }
0x2e: {  	s3 =	simm.s32 @!p0 $0x1082;
	s9 =	sld [smem:$0x3FB3]  }
0x2f: {  	lr =	sadd.s32 s0, s3;
	s0 =	sld [smem:$0x3FAA]  }
0x30: {  	s3 =	sld [smem:$0x3FAD]  }
0x31: {  	[smem:$0x3FB6] =	sst s10  }
0x32: {  	s10 =	sld [smem:$0x3FB4];
	_ =	sdelay $0x3  }
0x33: {  	p0 =	seq.s32 s10, $0x1;
	s10 =	sld [smem:$0x3FB6];
	_ =	sdelay $0x3  }
0x34: {  	[smem:$0x3FB6] =	sst s10  }
0x35: {  	s10 =	sld [smem:$0x3FB5];
	_ =	sdelay $0x3  }
0x36: {  	p1 =	seq.s32 s10, $0x1;
	s10 =	sld [smem:$0x3FB6];
	_ =	sdelay $0x3  }
0x37: {  	[smem:$0x3FB6] =	sst s10  }
0x38: {  	s10 =	sld [smem:$0x3FB7]  }
0x39: {  	_ = 	snop;
	(pc) =	sbr.ind lr, $3  }
0x3a: {  	_ = 	snop  }
0x3b: {  	_ = 	snop  }
0x3c: {  	p2 =	seq.s32 s10, $0x1;
	s10 =	sld [smem:$0x3FB6]  }
0x3d: {  	_ =	shalt  }
0x3e: {  	_ =	shalt  }
0x3f: {  	_ =	shalt  }
0x40: {  	_ =	shalt  }
0x41: {  	_ =	shalt  }
0x42: {  	_ =	shalt  }
0x43: {  	_ =	shalt  }
0x44: {  	_ =	shalt  }
0x45: {  	_ =	shalt  }
0x46: {  	_ =	shalt  }
0x47: {  	_ =	shalt  }
0x48: {  	_ =	shalt  }
0x49: {  	_ =	shalt  }
0x4a: {  	_ =	shalt  }
0x4b: {  	_ =	shalt  }
0x4c: {  	_ =	shalt  }
0x4d: {  	_ =	shalt  }
0x4e: {  	_ =	shalt  }
0x4f: {  	_ =	shalt  }
0x50: {  	_ =	shalt  }
0x51: {  	_ =	shalt  }
0x52: {  	_ =	shalt  }
0x53: {  	_ =	shalt  }
0x54: {  	_ =	shalt  }
0x55: {  	_ =	shalt  }
0x56: {  	_ =	shalt  }
0x57: {  	_ =	shalt  }
0x58: {  	_ =	shalt  }
0x59: {  	_ =	shalt  }
0x5a: {  	_ =	shalt  }
0x5b: {  	_ =	shalt  }
0x5c: {  	_ =	shalt  }
0x5d: {  	_ =	shalt  }
0x5e: {  	_ =	shalt  }
0x5f: {  	_ =	shalt  }
0x60: {  	_ =	shalt  }
0x61: {  	_ =	shalt  }
0x62: {  	_ =	shalt  }
0x63: {  	_ =	shalt  }
0x64: {  	_ =	shalt  }
0x65: {  	_ =	shalt  }
0x66: {  	_ =	shalt  }
0x67: {  	_ =	shalt  }
0x68: {  	_ =	shalt  }
0x69: {  	_ =	shalt  }
0x6a: {  	_ =	shalt  }
0x6b: {  	_ =	shalt  }
0x6c: {  	_ =	shalt  }
0x6d: {  	_ =	shalt  }
0x6e: {  	_ =	shalt  }
0x6f: {  	_ =	shalt  }
0x70: {  	_ =	shalt  }
0x71: {  	_ =	shalt  }
0x72: {  	_ =	shalt  }
0x73: {  	_ =	shalt  }
0x74: {  	_ =	shalt  }
0x75: {  	_ =	shalt  }
0x76: {  	_ =	shalt  }
0x77: {  	_ =	shalt  }
0x78: {  	_ =	shalt  }
0x79: {  	_ =	shalt  }
0x7a: {  	_ =	shalt  }
0x7b: {  	_ =	shalt  }
0x7c: {  	_ =	shalt  }
0x7d: {  	_ =	shalt  }
0x7e: {  	_ =	shalt  }
0x7f: {  	_ =	shalt  }
0x80: {  	_ =	shalt  }
0x81: {  	_ =	shalt  }
0x82: {  	_ =	shalt  }
0x83: {  	_ =	shalt  }
0x84: {  	_ =	shalt  }
0x85: {  	_ =	shalt  }
0x86: {  	_ =	shalt  }
0x87: {  	_ =	shalt  }
.Lfunc_end0:
.L_simem_size_0:
called_computation_lowered:
.L_overlay_start_0:
0x88: {  	s2 =	sld [smem:$0x3FD9]  }
0x89: {  	s3 =	sld [smem:$0x3FFE];
	_ =	sdelay $0x1  }
0x8a: {  	s1 =	srdreg.scid  }
0x8b: {  	s0 =	sand.u32 $0x1, s1  }
0x8c: {  	s17 =	sshll.u32 s0, $0xA;
	s2 =	sadd.s32 s3, s2  }
0x8d: {  	s2 =	sadd.s32 s2, s17  }
0x8e: {  	[smem:$0x3FC2] =	sst s2  }
0x8f: {  	_ = 	snop  }
0x90: {  	s2 =	sld [smem:$0x3FD0];
	(tm) =	ssettm $0x1  }
0x91: {  	s18 =	sld [smem:$0x3FFB];
	_ =	sdelay $0x3  }
0x92: {  	_ =	strace s18  }
0x93: {  	s3 =	sld [smem:$0x3FFC];
	_ =	sdelay $0x3  }
0x94: {  	_ =	strace s3  }
0x95: {  	s3 =	sld [smem:$0x3FFD];
	_ =	sdelay $0x3  }
0x96: {  	_ =	strace s3  }
0x97: {  	_ =	strace $0x8FFFFFFF  }
0x98: {  	s19 =	sld [smem:$0x3FDB];
	_ =	sdelay $0x1  }
0x99: {  	s4 =	simm.s32 $_scs_section_size  }
0x9a: {  	s5 =	simm.s32 $_size__tile_overlayer_lowered;
	s6 =	simm.s32 $_tile_overlayer_lowered  }
0x9b: {  	s22 =	simm.s32 $0x1BFF;
	s21 =	sshll.u32 s6, $0x1;
	s3 =	sadd.s32 s4, s19  }
0x9c: {  	s7 =	simm.s32 $0x0;
	s20 =	sshll.u32 s5, $0x1;
	s5 =	sadd.s32 s21, s3  }
0x9d: {  	[timem:s7], [sflag:s22] =	dma.local [hbm:s5], s20  }
0x9e: {  	_ =	swait.ge [sflag:s22], s20  }
0x9f: {  	s4 =	ssub.s32 $0x0, s20;
	[sflag:s22] =	ssyncset.done $0x0  }
0xa0: {  	[sflag:s22] =	ssyncadd.s32 s4;
	_ =	sdelay $0x1  }
0xa1: {  	s23 =	simm.s32 $0x1B8B  }
0xa2: {  	_ =	swait.ge [sflag:s23], $0x1  }
0xa3: {  	[sflag:s23] =	ssyncset.done $0x0  }
0xa4: {  	s25 =	simm.s32 $0x1B8E;
	s24 =	sld [smem:$0x3FFE];
	[sflag:s23] =	ssyncadd.s32 $0xFFFFFFFF  }
0xa5: {  	s26 =	simm.s32 $execute0_lowered;
	[smem:$0x3FD2] =	sst s25  }
0xa6: {  	s5 =	sshll.u32 s26, $0x1;
	_ =	strace $0x80000046;
	[dreg:$0x1] =	wrdreg $0xFFFFFFFF  }
0xa7: {  	s28 =	simm.s32 $_size_execute0_lowered;
	s3 =	sadd.s32 s3, s5;
	[dreg:$0x0] =	wrdreg $0x0  }
0xa8: {  	s5 =	sshll.u32 s28, $0x1;
	[dreg:$0x2] =	wrdreg s3  }
0xa9: {  	[dreg:$0x3] =	wrdreg s5  }
0xaa: {  	[dreg:$0x4] =	wrdreg $0xC0  }
0xab: {  	_ =	task [dreg:s7], $0x5FFFF  }
0xac: {  	[dreg:$0x1] =	wrdreg $0xFFFFFFFF  }
0xad: {  	[dreg:$0x0] =	wrdreg $0x60  }
0xae: {  	[dreg:$0x2] =	wrdreg s2  }
0xaf: {  	[dreg:$0x3] =	wrdreg s24  }
0xb0: {  	[dreg:$0x4] =	wrdreg $0xA8000  }
0xb1: {  	[dreg:$0x5] =	wrdreg $0x9  }
0xb2: {  	_ =	task.clear_ibuf [dreg:s7], $0x6FFFF;
	_ =	strace $0x90000046  }
0xb3: {  	s29 =	simm.s32 $0x9;
	_ =	strace $0x80000048  }
0xb4: {  	_ =	swait.ge [sflag:s29], $0x1  }
0xb5: {  	[sflag:s29] =	ssyncadd.s32 $0xFFFFFFFF  }
0xb6: {  	_ =	strace $0x90000048  }
0xb7: {  	_ =	sfence  }
0xb8: {  	s30 =	sld [smem:$0x0];
	_ =	sdelay $0x2  }
0xb9: {  	s31 =	sshll.u32 s1, $0xD;
	s1 =	sshrl.u32 s1, $0x2  }
0xba: {  	s3 =	sand.u32 $0x4000, s31;
	s1 =	sadd.s32 s1, s30  }
0xbb: {  	s0 =	sor.u32 s3, s0;
	s1 =	sshll.u32 s1, $0x11  }
0xbc: {  	s0 =	sor.u32 s1, s0  }
0xbd: {  	s0 =	sadd.s32 $0x8F2B, s0  }
0xbe: {  	[sflag:s0] =	ssyncadd.remote.s32 $0x1  }
0xbf: {  	_ =	sfence.sel $0xFFFF  }
0xc0: {  	[dreg:$0x0] =	wrdreg $0xFFFFFFFF;
	(pc) =	sbr.abs _section_cstart, $3  }
0xc1: {  	[dreg:$0x1] =	wrdreg $0xFFFFFFFF  }
0xc2: {  	_ =	task.clear_ibuf [dreg:s7], $0x2FFFF;
	_ =	strace $0x9FFFFFFF  }
0xc3: {  	(tm) =	ssettm $0x7FFFFFFF  }
tec
execute0_lowered:
.L_overlay_start_1:
0x0: {  	(tag) =	ssettag $0x1  }
0x1: {  	s5 =	rddreg [dreg:$0x0]  }
0x2: {  	s6 =	rddreg [dreg:$0x1]  }
0x3: {  	s2 =	rddreg [dreg:$0x2]  }
0x4: {  	s0 =	rddreg [dreg:$0x3];
	s1 =	stileid.u32  }
0x5: {  	s3 =	simm.s32 $0x0;
	s4 =	srdreg.scid;
	s16 =	simm.s32 $0x1400  }
0x6: {  	s17 =	simm.s32 $0x2800;
	s18 =	simm.s32 $0x3;
	s19 =	simm.s32 $0x1  }
0x7: {  	s20 =	simm.s32 $0x2;
	s21 =	simm.s32 $0x80;
	s22 =	simm.s32 $0x6800  }
0x8: {  	s23 =	simm.s32 $0x2700;
	s24 =	simm.s32 $0x2780;
	s25 =	simm.s32 $0x0  }
0x9: {  	s7 =	smul.u32 $0x280, s1;
	s8 =	sand.u32 $0x1, s4;
	p0 =	seq.s32 s1, $0xF  }
0xa: {  	s30 =	sshll.u32 s1, $0x1;
	[smem:$0x7FF] =	sst s3;
	s9 =	smul.u32 $0x139000, s8  }
0xb: {  	s4 =	sor.u32 s8, s30;
	_ =	strace $0x80000047;
	s8 =	ssub.s32 $0x2, s8  }
0xc: {  	s7 =	simm.s32 @p0 $0x24A0;
	s10 =	smul.u32 $0x2800, s4;
	s31 =	sshrl.u32 s8, $0x1  }
0xd: {  	s4 =	sadd.s32 $0x1200, s6;
	s7 =	sshll.u32 s7, $0x7;
	s15 =	ssub.s32 s8, s31  }
0xe: {  	s9 =	sadd.s32 s9, s7;
	s10 =	sshrl.u32 s10, $0x3;
	s7 =	sadd.s32 s7, s2  }
0xf: {  	s15 =	smax.u32 s15, $0x1;
	s9 =	sshrl.u32 s9, $0x3;
	s5 =	sadd.s32 s5, s10  }
0x10: {  	s8 =	sadd.s32 $0x4000, s7;
	s10 =	sadd.s32 $0xC000, s7;
	s11 =	sadd.s32 $0x10000, s7  }
0x11: {  	s14 =	sadd.s32 s9, s6;
	s6 =	sadd.s32 $0xA000, s5;
	s9 =	sadd.s32 $0x8000, s7  }
0x12: {  	v0 =	vimm.f32 $0.0e+00;
	s12 =	sadd.s32 $0x280, s5;
	s13 =	sadd.s32 $0xA280, s5;
	s14 =	sadd.s32 $0x139A00, s14  }
.LBB2_1:
0x13: {  	[tilespmem:s3], [sflag:$0x1] =	stream.linear.gather [hbm4b:s5+s3], $0x1400, $0x38;
	[tilespmem:$0x1E100] =	vst v63  }
0x14: {  	s26 =	simm.s32 $0x0;
	s28 =	simm.s32 $0x200  }
0x15: {  	[tilespmem:s16], [sflag:$0x2] =	stream.linear.gather [hbm4b:s6+s3], $0x1400, $0x38;
	[tilespmem:$0x1E100] =	vst v63  }
.LBB2_2:
0x16: {  	p0 =	sne.s32 s28, $0xFE00;
	[tilespmem:s26+$0x2870] =	vst v0  }
0x17: {  	[tilespmem:s26+$0x2800] =	vst v0  }
0x18: {  	[tilespmem:s26+$0x2810] =	vst v0  }
.Ltmp0:
0x19: {  	[tilespmem:s26+$0x2820] =	vst v0;
	(pc) =	sbr.rel @p0 .LBB2_2-.Ltmp0, $4  }
0x1a: {  	[tilespmem:s26+$0x2830] =	vst v0  }
0x1b: {  	[tilespmem:s26+$0x2840] =	vst v0  }
0x1c: {  	[tilespmem:s26+$0x2850] =	vst v0  }
0x1d: {  	[tilespmem:s26+$0x2860] =	vst v0;
	s26 =	sshra.s32 s28, $0x2;
	s28 =	sadd.s32 $0x200, s28  }
0x1e: {  	[tilespmem:s26+$0x2870] =	vst v0  }
0x1f: {  	[tilespmem:s26+$0x2800] =	vst v0  }
0x20: {  	[tilespmem:s26+$0x2810] =	vst v0  }
0x21: {  	[tilespmem:s26+$0x2820] =	vst v0  }
0x22: {  	[tilespmem:s26+$0x2830] =	vst v0  }
0x23: {  	[tilespmem:s26+$0x2840] =	vst v0  }
0x24: {  	[tilespmem:s26+$0x2850] =	vst v0  }
0x25: {  	[tilespmem:s26+$0x2860] =	vst v0  }
0x26: {  	[spmem:s7] =	stream.linear.scatter [tilespmem:s17], [sflag:$0x3], $0x4000, $0x38;
	[tilespmem:$0x1E100] =	vst v63  }
0x27: {  	_ =	swait.ge [sflag:s18], $0x4000  }
0x28: {  	[sflag:s18] =	ssyncset.done $0x0  }
0x29: {  	[sflag:s18] =	ssyncadd.s32 $0xFFFFC000  }
0x2a: {  	[spmem:s8] =	stream.linear.scatter [tilespmem:s17], [sflag:$0x3], $0x4000, $0x38;
	[tilespmem:$0x1E100] =	vst v63  }
0x2b: {  	_ =	swait.ge [sflag:s18], $0x4000  }
0x2c: {  	[sflag:s18] =	ssyncset.done $0x0  }
0x2d: {  	[sflag:s18] =	ssyncadd.s32 $0xFFFFC000  }
0x2e: {  	[spmem:s9] =	stream.linear.scatter [tilespmem:s17], [sflag:$0x3], $0x4000, $0x38;
	[tilespmem:$0x1E100] =	vst v63  }
0x2f: {  	_ =	swait.ge [sflag:s18], $0x4000  }
0x30: {  	[sflag:s18] =	ssyncset.done $0x0  }
0x31: {  	[sflag:s18] =	ssyncadd.s32 $0xFFFFC000  }
0x32: {  	[spmem:s10] =	stream.linear.scatter [tilespmem:s17], [sflag:$0x3], $0x4000, $0x38;
	[tilespmem:$0x1E100] =	vst v63  }
0x33: {  	_ =	swait.ge [sflag:s18], $0x4000  }
0x34: {  	[sflag:s18] =	ssyncset.done $0x0  }
0x35: {  	[sflag:s18] =	ssyncadd.s32 $0xFFFFC000  }
0x36: {  	[spmem:s11] =	stream.linear.scatter [tilespmem:s17], [sflag:$0x3], $0x4000, $0x38;
	[tilespmem:$0x1E100] =	vst v63  }
0x37: {  	_ =	swait.ge [sflag:s18], $0x4000  }
0x38: {  	[sflag:s18] =	ssyncset.done $0x0  }
0x39: {  	[sflag:s18] =	ssyncadd.s32 $0xFFFFC000  }
0x3a: {  	_ =	swait.ge [sflag:s19], $0x1400  }
0x3b: {  	[sflag:s19] =	ssyncset.done $0x0  }
0x3c: {  	[sflag:s19] =	ssyncadd.s32 $0xFFFFEC00  }
0x3d: {  	_ =	swait.ge [sflag:s20], $0x1400  }
0x3e: {  	[sflag:s20] =	ssyncset.done $0x0  }
0x3f: {  	[sflag:s20] =	ssyncadd.s32 $0xFFFFEC00  }
0x40: {  	s31 =	simm.s32 $0x0;
	[bflag:$0x0] =	sbarrier.arrive $0xFFFF  }
0x41: {  	[tilespmem:s17], [sflag:$0x1] =	stream.indirect.gather [hbm4b:s4+s21], $0x80, s31, s21, $0xb8;
	[tilespmem:$0x1E100] =	vst v63  }
0x42: {  	_ = 	snop  }
0x43: {  	[tilespmem:s22], [sflag:$0x2] =	stream.indirect.gather [hbm4b:s4+s21], $0x80, s21, s21, $0xb8;
	[tilespmem:$0x1E100] =	vst v63  }
0x44: {  	_ =	swait.ge [sflag:s19], $0x4000  }
0x45: {  	[sflag:s19] =	ssyncset.done $0x0  }
0x46: {  	s29 =	simm.s32 $0x1400;
	[sflag:s19] =	ssyncadd.s32 $0xFFFFC000  }
0x47: {  	[spmem:s2] =	stream.indirect.scatter.add.f32 [tilespmem:s17], [sflag:$0x3], $0x80, s29, s21, $0xb8;
	[tilespmem:$0x1E100] =	vst v63  }
0x48: {  	_ =	swait.ge [sflag:s18], $0x4000  }
0x49: {  	[sflag:s18] =	ssyncset.done $0x0  }
0x4a: {  	s30 =	simm.s32 $0x100;
	[sflag:s18] =	ssyncadd.s32 $0xFFFFC000  }
0x4b: {  	[tilespmem:s17], [sflag:$0x1] =	stream.indirect.gather [hbm4b:s4+s21], $0x80, s30, s21, $0xb8;
	[tilespmem:$0x1E100] =	vst v63  }
0x4c: {  	_ =	swait.ge [sflag:s20], $0x4000  }
0x4d: {  	[sflag:s20] =	ssyncset.done $0x0  }
0x4e: {  	s31 =	simm.s32 $0x1480;
	[sflag:s20] =	ssyncadd.s32 $0xFFFFC000  }
0x4f: {  	[spmem:s2] =	stream.indirect.scatter.add.f32 [tilespmem:s22], [sflag:$0x3], $0x80, s31, s21, $0xb8;
	[tilespmem:$0x1E100] =	vst v63  }
0x50: {  	_ =	swait.ge [sflag:s18], $0x4000  }
0x51: {  	[sflag:s18] =	ssyncset.done $0x0  }
0x52: {  	s26 =	simm.s32 $0x400;
	s28 =	simm.s32 $0x180;
	[sflag:s18] =	ssyncadd.s32 $0xFFFFC000  }
.LBB2_4:
0x53: {  	[tilespmem:s22], [sflag:$0x2] =	stream.indirect.gather [hbm4b:s4+s21], $0x80, s28, s21, $0xb8;
	[tilespmem:$0x1E100] =	vst v63  }
0x54: {  	s28 =	smov.u32 s26  }
0x55: {  	p0 =	sne.s32 s26, $0x4800;
	s26 =	sadd.s32 $0x400, s26;
	_ =	swait.ge [sflag:s19], $0x4000  }
0x56: {  	s28 =	sshra.s32 s28, $0x2;
	[sflag:s19] =	ssyncset.done $0x0  }
0x57: {  	s29 =	sadd.s32 $0x1400, s28;
	[sflag:s19] =	ssyncadd.s32 $0xFFFFC000  }
0x58: {  	[spmem:s2] =	stream.indirect.scatter.add.f32 [tilespmem:s17], [sflag:$0x3], $0x80, s29, s21, $0xb8;
	[tilespmem:$0x1E100] =	vst v63  }
0x59: {  	_ =	swait.ge [sflag:s18], $0x4000  }
0x5a: {  	[sflag:s18] =	ssyncset.done $0x0  }
0x5b: {  	s29 =	sadd.s32 $0x100, s28;
	[sflag:s18] =	ssyncadd.s32 $0xFFFFC000  }
0x5c: {  	[tilespmem:s17], [sflag:$0x1] =	stream.indirect.gather [hbm4b:s4+s21], $0x80, s29, s21, $0xb8;
	[tilespmem:$0x1E100] =	vst v63  }
0x5d: {  	_ =	swait.ge [sflag:s20], $0x4000  }
0x5e: {  	[sflag:s20] =	ssyncset.done $0x0  }
.Ltmp1:
0x5f: {  	s29 =	sadd.s32 $0x1480, s28;
	[sflag:s20] =	ssyncadd.s32 $0xFFFFC000;
	(pc) =	sbr.rel @p0 .LBB2_4-.Ltmp1, $4  }
0x60: {  	[spmem:s2] =	stream.indirect.scatter.add.f32 [tilespmem:s22], [sflag:$0x3], $0x80, s29, s21, $0xb8;
	[tilespmem:$0x1E100] =	vst v63  }
0x61: {  	_ =	swait.ge [sflag:s18], $0x4000  }
0x62: {  	[sflag:s18] =	ssyncset.done $0x0  }
0x63: {  	s28 =	sadd.s32 $0x180, s28;
	[sflag:s18] =	ssyncadd.s32 $0xFFFFC000  }
0x64: {  	[tilespmem:s22], [sflag:$0x2] =	stream.indirect.gather [hbm4b:s4+s21], $0x80, s28, s21, $0xb8;
	[tilespmem:$0x1E100] =	vst v63  }
0x65: {  	_ =	swait.ge [sflag:s19], $0x4000  }
0x66: {  	[sflag:s19] =	ssyncset.done $0x0  }
0x67: {  	[sflag:s19] =	ssyncadd.s32 $0xFFFFC000  }
0x68: {  	[spmem:s2] =	stream.indirect.scatter.add.f32 [tilespmem:s17], [sflag:$0x3], $0x80, s23, s21, $0xb8;
	[tilespmem:$0x1E100] =	vst v63  }
0x69: {  	_ =	swait.ge [sflag:s18], $0x4000  }
0x6a: {  	[sflag:s18] =	ssyncset.done $0x0  }
0x6b: {  	[sflag:s18] =	ssyncadd.s32 $0xFFFFC000  }
0x6c: {  	_ =	swait.ge [sflag:s20], $0x4000  }
0x6d: {  	[sflag:s20] =	ssyncset.done $0x0  }
0x6e: {  	[sflag:s20] =	ssyncadd.s32 $0xFFFFC000  }
0x6f: {  	[spmem:s2] =	stream.indirect.scatter.add.f32 [tilespmem:s22], [sflag:$0x3], $0x80, s24, s21, $0xb8;
	[tilespmem:$0x1E100] =	vst v63  }
0x70: {  	_ =	swait.ge [sflag:s18], $0x4000  }
0x71: {  	[sflag:s18] =	ssyncset.done $0x0  }
0x72: {  	s26 =	simm.s32 $0x0;
	[sflag:s18] =	ssyncadd.s32 $0xFFFFC000  }
0x73: {  	[tilespmem:s26], [sflag:$0x3] =	stream.linear.gather [hbm4b:s12+s26], $0x1400, $0x38;
	[tilespmem:$0x1E100] =	vst v63  }
0x74: {  	_ =	swait.ge [sflag:s18], $0x1400  }
0x75: {  	[sflag:s18] =	ssyncset.done $0x0  }
0x76: {  	[sflag:s18] =	ssyncadd.s32 $0xFFFFEC00  }
0x77: {  	[tilespmem:s16], [sflag:$0x3] =	stream.linear.gather [hbm4b:s13+s26], $0x1400, $0x38;
	[tilespmem:$0x1E100] =	vst v63  }
0x78: {  	_ =	swait.ge [sflag:s18], $0x1400  }
0x79: {  	[sflag:s18] =	ssyncset.done $0x0  }
0x7a: {  	[sflag:s18] =	ssyncadd.s32 $0xFFFFEC00  }
0x7b: {  	[tilespmem:s17], [sflag:$0x1] =	stream.indirect.gather [hbm4b:s4+s21], $0x80, s26, s21, $0xb8;
	[tilespmem:$0x1E100] =	vst v63  }
0x7c: {  	_ = 	snop  }
0x7d: {  	[tilespmem:s22], [sflag:$0x2] =	stream.indirect.gather [hbm4b:s4+s21], $0x80, s21, s21, $0xb8;
	[tilespmem:$0x1E100] =	vst v63  }
0x7e: {  	_ =	swait.ge [sflag:s19], $0x4000  }
0x7f: {  	[sflag:s19] =	ssyncset.done $0x0  }
0x80: {  	s29 =	simm.s32 $0x1400;
	[sflag:s19] =	ssyncadd.s32 $0xFFFFC000  }
0x81: {  	[spmem:s2] =	stream.indirect.scatter.add.f32 [tilespmem:s17], [sflag:$0x3], $0x80, s29, s21, $0xb8;
	[tilespmem:$0x1E100] =	vst v63  }
0x82: {  	_ =	swait.ge [sflag:s18], $0x4000  }
0x83: {  	[sflag:s18] =	ssyncset.done $0x0  }
0x84: {  	s30 =	simm.s32 $0x100;
	[sflag:s18] =	ssyncadd.s32 $0xFFFFC000  }
0x85: {  	[tilespmem:s17], [sflag:$0x1] =	stream.indirect.gather [hbm4b:s4+s21], $0x80, s30, s21, $0xb8;
	[tilespmem:$0x1E100] =	vst v63  }
0x86: {  	_ =	swait.ge [sflag:s20], $0x4000  }
0x87: {  	[sflag:s20] =	ssyncset.done $0x0  }
0x88: {  	s31 =	simm.s32 $0x1480;
	[sflag:s20] =	ssyncadd.s32 $0xFFFFC000  }
0x89: {  	[spmem:s2] =	stream.indirect.scatter.add.f32 [tilespmem:s22], [sflag:$0x3], $0x80, s31, s21, $0xb8;
	[tilespmem:$0x1E100] =	vst v63  }
0x8a: {  	_ =	swait.ge [sflag:s18], $0x4000  }
0x8b: {  	[sflag:s18] =	ssyncset.done $0x0  }
0x8c: {  	s28 =	simm.s32 $0x180;
	s26 =	simm.s32 $0x400;
	[sflag:s18] =	ssyncadd.s32 $0xFFFFC000  }
.LBB2_6:
0x8d: {  	[tilespmem:s22], [sflag:$0x2] =	stream.indirect.gather [hbm4b:s4+s21], $0x80, s28, s21, $0xb8;
	[tilespmem:$0x1E100] =	vst v63  }
0x8e: {  	s28 =	smov.u32 s26  }
0x8f: {  	p0 =	sne.s32 s26, $0x4800;
	s26 =	sadd.s32 $0x400, s26;
	_ =	swait.ge [sflag:s19], $0x4000  }
0x90: {  	s28 =	sshra.s32 s28, $0x2;
	[sflag:s19] =	ssyncset.done $0x0  }
0x91: {  	s29 =	sadd.s32 $0x1400, s28;
	[sflag:s19] =	ssyncadd.s32 $0xFFFFC000  }
0x92: {  	[spmem:s2] =	stream.indirect.scatter.add.f32 [tilespmem:s17], [sflag:$0x3], $0x80, s29, s21, $0xb8;
	[tilespmem:$0x1E100] =	vst v63  }
0x93: {  	_ =	swait.ge [sflag:s18], $0x4000  }
0x94: {  	[sflag:s18] =	ssyncset.done $0x0  }
0x95: {  	s29 =	sadd.s32 $0x100, s28;
	[sflag:s18] =	ssyncadd.s32 $0xFFFFC000  }
0x96: {  	[tilespmem:s17], [sflag:$0x1] =	stream.indirect.gather [hbm4b:s4+s21], $0x80, s29, s21, $0xb8;
	[tilespmem:$0x1E100] =	vst v63  }
0x97: {  	_ =	swait.ge [sflag:s20], $0x4000  }
0x98: {  	[sflag:s20] =	ssyncset.done $0x0  }
.Ltmp2:
0x99: {  	s29 =	sadd.s32 $0x1480, s28;
	[sflag:s20] =	ssyncadd.s32 $0xFFFFC000;
	(pc) =	sbr.rel @p0 .LBB2_6-.Ltmp2, $4  }
0x9a: {  	[spmem:s2] =	stream.indirect.scatter.add.f32 [tilespmem:s22], [sflag:$0x3], $0x80, s29, s21, $0xb8;
	[tilespmem:$0x1E100] =	vst v63  }
0x9b: {  	_ =	swait.ge [sflag:s18], $0x4000  }
0x9c: {  	[sflag:s18] =	ssyncset.done $0x0  }
0x9d: {  	s28 =	sadd.s32 $0x180, s28;
	[sflag:s18] =	ssyncadd.s32 $0xFFFFC000  }
0x9e: {  	[tilespmem:s22], [sflag:$0x2] =	stream.indirect.gather [hbm4b:s4+s21], $0x80, s28, s21, $0xb8;
	[tilespmem:$0x1E100] =	vst v63  }
0x9f: {  	_ =	swait.ge [sflag:s19], $0x4000  }
0xa0: {  	[sflag:s19] =	ssyncset.done $0x0  }
0xa1: {  	[sflag:s19] =	ssyncadd.s32 $0xFFFFC000  }
0xa2: {  	[spmem:s2] =	stream.indirect.scatter.add.f32 [tilespmem:s17], [sflag:$0x3], $0x80, s23, s21, $0xb8;
	[tilespmem:$0x1E100] =	vst v63  }
0xa3: {  	_ =	swait.ge [sflag:s18], $0x4000  }
0xa4: {  	[sflag:s18] =	ssyncset.done $0x0  }
0xa5: {  	[sflag:s18] =	ssyncadd.s32 $0xFFFFC000  }
0xa6: {  	_ =	swait.ge [sflag:s20], $0x4000  }
0xa7: {  	[sflag:s20] =	ssyncset.done $0x0  }
0xa8: {  	[sflag:s20] =	ssyncadd.s32 $0xFFFFC000  }
0xa9: {  	[spmem:s2] =	stream.indirect.scatter.add.f32 [tilespmem:s22], [sflag:$0x3], $0x80, s24, s21, $0xb8;
	[tilespmem:$0x1E100] =	vst v63  }
0xaa: {  	_ =	swait.ge [sflag:s18], $0x4000  }
0xab: {  	s26 =	sshll.u32 s1, $0x6;
	s25 =	sadd.s32 $0x1, s25;
	[sflag:s18] =	ssyncset.done $0x0  }
0xac: {  	s31 =	sshrl.u32 s7, $0x3;
	p0 =	sne.s32 s25, s15;
	[sflag:s18] =	ssyncadd.s32 $0xFFFFC000  }
.Ltmp3:
0xad: {  	s26 =	sor.u32 $0x1C03, s26;
	[bflag:$0x0] =	sbarrier.arrive $0xFFFF;
	(pc) =	sbr.rel @p0 .LBB2_1-.Ltmp3, $4  }
0xae: {  	[hbm:s14], [sflag:s26] =	dma.local [spmem:s31], $0x2800  }
0xaf: {  	_ =	swait.ge [sflag:s18], $0x2800  }
0xb0: {  	[sflag:s18] =	ssyncset.done $0x0  }
0xb1: {  	[sflag:s18] =	ssyncadd.s32 $0xFFFFD800  }
0xb2: {  	_ =	sfence.sel $0x180000  }
0xb3: {  	[bflag:$0x0] =	sbarrier.arrive $0xFFFF  }
0xb4: {  	p0 =	sne.s32 s1, $0x0;
	_ =	strace $0x90000047  }
0xb5: {  	s0 =	sadd.s32 @!p0 $0x100000, s0;
	[bflag:$0x2] =	sbarrier.arrive $0xFFFF  }
0xb6: {  	[sflag:s0] =	ssyncadd.tile.s32 @!p0 $0x1;
	_ =	shalt  }
.Lfunc_end2:
_tile_overlayer_lowered:
.L_overlay_start_2:
0xb7: {  	(tag) =	ssettag $0x2  }
0xb8: {  	s0 =	rddreg [dreg:$0x0];
	s2 =	stileid.u32  }
0xb9: {  	s1 =	rddreg [dreg:$0x1];
	p0 =	sne.s32 s2, $0x0  }
0xba: {  	s3 =	rddreg [dreg:$0x2];
	[bflag:$0x3] =	sbarrier.arrive $0xFFFF;
	s2 =	simm.s32 @!p0 $0x1C03  }
0xbb: {  	[timem:s3], [sflag:s2] =	dma.local @!p0 [hbm:s0], s1  }
0xbc: {  	s0 =	simm.s32 @!p0 $0x3  }
0xbd: {  	_ =	swait.ge @!p0 [sflag:s0], s1  }
0xbe: {  	s1 =	ssub.s32 @!p0 $0x0, s1;
	[sflag:s0] =	ssyncset.done @!p0 $0x0  }
0xbf: {  	[sflag:s0] =	ssyncadd.s32 @!p0 s1  }
0xc0: {  	[bflag:$0x3] =	sbarrier.arrive $0xFFFF  }
0xc1: {  	_ =	shalt  }

</sc_bundles>
